<compile_context>
chip_gen: v7x
topology: tpu7x:2x2x1
jax: 0.10.2.dev20260603
libtpu: 0.0.44.dev20260713+nightly
codegen_flags: <defaults>
</compile_context>

<pallas_src>
import functools

import jax
import jax.numpy as jnp
from jax import lax
from jax.experimental import pallas as pl
from jax.experimental.pallas import tpu as pltpu
from jax.experimental.pallas import tpu_sc as plsc

_BATCH = 256
_SUB = 11
_SUB_PER_STEP = 8
_NBUF = 7
_LOOKAHEAD = 5


@functools.cache
def _build(table_shape):
    info = plsc.get_sparse_core_info()
    nc, ns = info.num_cores, info.num_subcores
    nw = nc * ns
    n_sub = _BATCH * _SUB
    per_w = n_sub // nw
    n_steps = per_w // _SUB_PER_STEP
    sub_shape = table_shape[1:]
    mesh = plsc.VectorSubcoreMesh(core_axis_name="c", subcore_axis_name="s")

    @functools.partial(
        pl.kernel,
        mesh=mesh,
        out_type=jax.ShapeDtypeStruct((n_sub,) + sub_shape, jnp.float32),
        scratch_types=[
            pltpu.VMEM((n_steps, _SUB_PER_STEP), jnp.int32),
            pltpu.VMEM((_NBUF, _SUB_PER_STEP) + sub_shape, jnp.float32),
        ] + [pltpu.SemaphoreType.DMA] * (2 * _NBUF),
    )
    def gather(table_hbm, idx_hbm, out_hbm, idx_v, bufs, *sems):
        gsem = sems[:_NBUF]
        ssem = sems[_NBUF:]
        wid = lax.axis_index("s") * nc + lax.axis_index("c")
        base = wid * per_w
        pltpu.sync_copy(idx_hbm.at[wid], idx_v)

        def start_gather(step):
            slot = step % _NBUF
            return pltpu.async_copy(
                table_hbm.at[idx_v.at[step]], bufs.at[slot], gsem[slot])

        gathers = [None] * _NBUF
        for s in range(min(_LOOKAHEAD, n_steps)):
            gathers[s % _NBUF] = start_gather(s)
        scatters = [None] * _NBUF
        for step in range(n_steps):
            slot = step % _NBUF
            gathers[slot].wait()
            scatters[slot] = pltpu.async_copy(
                bufs.at[slot],
                out_hbm.at[pl.ds(base + step * _SUB_PER_STEP, _SUB_PER_STEP)],
                ssem[slot])
            la = step + _LOOKAHEAD
            if la < n_steps:
                laslot = la % _NBUF
                if scatters[laslot] is not None:
                    scatters[laslot].wait()
                    scatters[laslot] = None
                gathers[laslot] = start_gather(la)
        for sc in scatters:
            if sc is not None:
                sc.wait()

    return gather, nw, n_steps


def kernel(data_sub_trajectories, permutations, i):
    num_total, sub_len, c, w = data_sub_trajectories.shape
    mb_per_epoch = -(-num_total // _BATCH)

    i = jnp.asarray(i)
    epoch_i = i // mb_per_epoch
    batch_start = (i % mb_per_epoch) * _BATCH
    batch_idx = lax.dynamic_slice(
        permutations, (epoch_i, batch_start), (1, _BATCH))[0]

    table = data_sub_trajectories.reshape(num_total * sub_len, c, w)
    gather, nw, n_steps = _build(table.shape)
    sub_idx = (batch_idx[:, None] * _SUB
               + jnp.arange(_SUB, dtype=jnp.int32)).reshape(
                   nw, n_steps, _SUB_PER_STEP)
    out = gather(table, sub_idx)
    return out.reshape(_BATCH, sub_len, c, w)

# --- scband reference (transcript-rebuilt; emitter-appended) ---
"""Pipeline reference for scband-trajectory-mixer-37598143710108 (READ-ONLY COPY).

The authoritative reference and input builder live on the scoring server;
editing this copy changes nothing except your own understanding.
"""

import jax, jax.numpy as jnp
import numpy as np

NUM_SAMPLES = 32
TRJ_LEN = 101
SUB_LEN = 11
C = 8
W = 256
BATCH_SIZE = 256
NUM_MINIBATCHES = 100
NUM_WINDOWS = TRJ_LEN - SUB_LEN + 1  # 91
NUM_TOTAL_SAMPLES = NUM_SAMPLES * NUM_WINDOWS  # 2912
NUM_MB_PER_EPOCH = int(np.ceil(NUM_TOTAL_SAMPLES / BATCH_SIZE))  # 12
NUM_EPOCHS = int(np.ceil(NUM_MINIBATCHES / NUM_MB_PER_EPOCH))  # 9


def _stack_sub_trajectories(trj, sub_len):
    # trj: [trj_len, ...] -> [num_windows, sub_len, ...] (all overlapping windows)
    n = trj.shape[0] - sub_len + 1
    starts = jnp.arange(n)
    return jax.vmap(lambda s: jax.lax.dynamic_slice_in_dim(trj, s, sub_len, axis=0))(starts)


def setup_inputs(seed: int = 0) -> dict:
    key = jax.random.key(seed)
    k_data, k_shuffle = jax.random.split(key)
    # raw trajectories: [num_samples, trj_len, C, W]
    data_trajectories = jax.random.normal(
        k_data, (NUM_SAMPLES, TRJ_LEN, C, W), dtype=jnp.float32
    )
    # TrajectorySubStacker.__init__: vmap window stacking over samples, then concat
    stacked = jax.vmap(_stack_sub_trajectories, in_axes=(0, None))(
        data_trajectories, SUB_LEN
    )  # [num_samples, num_windows, sub_len, C, W]
    data_sub_trajectories = jnp.concatenate(stacked)  # [num_total, sub_len, C, W]
    # PermutationMixer.__init__: scan generating one permutation per epoch
    def step(k, _):
        perm = jax.random.permutation(k, NUM_TOTAL_SAMPLES)
        return jax.random.split(k)[0], perm
    _, permutations = jax.lax.scan(step, k_shuffle, None, length=NUM_EPOCHS)
    permutations = permutations.astype(jnp.int32)  # [num_epochs, num_total]
    return {
        "data_sub_trajectories": data_sub_trajectories,
        "permutations": permutations,
        "i": 5,
    }


def reference(data_sub_trajectories, permutations, i):
    # TrajectoryMixer.__call__(i)
    i = jnp.asarray(i)
    epoch_i = i // NUM_MB_PER_EPOCH
    batch_i = i % NUM_MB_PER_EPOCH
    batch_start = batch_i * BATCH_SIZE
    batch_indices = jax.lax.dynamic_slice(
        permutations, (epoch_i, batch_start), (1, BATCH_SIZE)
    )[0]
    # TrajectorySubStacker.__call__(indices): row gather
    return jnp.take(data_sub_trajectories, batch_indices, axis=0)

if __name__ == "__main__":
    import jax
    _d = setup_inputs()
    print(jax.jit(kernel)(*tuple(_d.values())))

</pallas_src>

<mosaic_0001>
#map = affine_map<(d0, d1) -> (0, 0, 0)>
module attributes {stable_mosaic.version = 14 : i64} {
  func.func @gather(%arg0: i32, %arg1: i32, %arg2: memref<32032x8x256xf32, #tpu.memory_space<hbm>>, %arg3: memref<32x11x8xi32, #tpu.memory_space<hbm>>, %arg4: memref<2816x8x256xf32, #tpu.memory_space<hbm>>, %arg5: memref<11x8xi32, #tpu.memory_space<vmem>>, %arg6: memref<7x8x8x256xf32, #tpu.memory_space<vmem>>, %arg7: memref<!tpu.dma_semaphore, #tpu.memory_space<semaphore_mem>>, %arg8: memref<!tpu.dma_semaphore, #tpu.memory_space<semaphore_mem>>, %arg9: memref<!tpu.dma_semaphore, #tpu.memory_space<semaphore_mem>>, %arg10: memref<!tpu.dma_semaphore, #tpu.memory_space<semaphore_mem>>, %arg11: memref<!tpu.dma_semaphore, #tpu.memory_space<semaphore_mem>>, %arg12: memref<!tpu.dma_semaphore, #tpu.memory_space<semaphore_mem>>, %arg13: memref<!tpu.dma_semaphore, #tpu.memory_space<semaphore_mem>>, %arg14: memref<!tpu.dma_semaphore, #tpu.memory_space<semaphore_mem>>, %arg15: memref<!tpu.dma_semaphore, #tpu.memory_space<semaphore_mem>>, %arg16: memref<!tpu.dma_semaphore, #tpu.memory_space<semaphore_mem>>, %arg17: memref<!tpu.dma_semaphore, #tpu.memory_space<semaphore_mem>>, %arg18: memref<!tpu.dma_semaphore, #tpu.memory_space<semaphore_mem>>, %arg19: memref<!tpu.dma_semaphore, #tpu.memory_space<semaphore_mem>>, %arg20: memref<!tpu.dma_semaphore, #tpu.memory_space<semaphore_mem>>) attributes {dimension_semantics = [#tpu.dimension_semantics<core_parallel>, #tpu.dimension_semantics<subcore_parallel>], iteration_bounds = array<i64: 2, 16>, scalar_prefetch = 0 : i64, scratch_operands = 16 : i64, tpu.core_type = #tpu.core_type<sc_vector_subcore>, window_params = [{transform_indices = #map}, {transform_indices = #map}, {transform_indices = #map}]} {
    %mul3A = arith.constant 2 : i32
    %mul3A_0 = arith.muli %arg1, %mul3A : i32
    %add3A = arith.addi %mul3A_0, %arg0 : i32
    %mul3A_1 = arith.constant 88 : i32
    %mul3A_2 = arith.muli %add3A, %mul3A_1 : i32
    "tpu.region"() ({
      %run_scoped3A = tpu.sem_alloc : memref<!tpu.dma_semaphore, #tpu.memory_space<semaphore_mem>>
      %dma_start3A_705 = arith.constant 0 : i32
      %dma_start3A_706 = arith.constant 0 : i32
      %dma_start3A_707 = tpu.memref_slice %arg3[%add3A, %dma_start3A_705, %dma_start3A_706] : memref<32x11x8xi32, #tpu.memory_space<hbm>> -> memref<1x11x8xi32, #tpu.memory_space<hbm>>
      %dma_start3A_708 = tpu.memref_squeeze %dma_start3A_707 : memref<1x11x8xi32, #tpu.memory_space<hbm>> -> memref<11x8xi32, #tpu.memory_space<hbm>>
      %dma_start3A_709 = arith.constant 0 : i32
      %dma_start3A_710 = arith.constant 0 : i32
      %dma_start3A_711 = tpu.memref_slice %arg3[%add3A, %dma_start3A_709, %dma_start3A_710] : memref<32x11x8xi32, #tpu.memory_space<hbm>> -> memref<1x11x8xi32, #tpu.memory_space<hbm>>
      %dma_start3A_712 = tpu.memref_squeeze %dma_start3A_711 : memref<1x11x8xi32, #tpu.memory_space<hbm>> -> memref<11x8xi32, #tpu.memory_space<hbm>>
      tpu.enqueue_dma source(%dma_start3A_712 : memref<11x8xi32, #tpu.memory_space<hbm>>) target(%arg5 : memref<11x8xi32, #tpu.memory_space<vmem>>) target_semaphore(%run_scoped3A : memref<!tpu.dma_semaphore, #tpu.memory_space<semaphore_mem>>)
      %dma_wait3A_713 = arith.constant 0 : i32
      %dma_wait3A_714 = arith.constant 0 : i32
      %dma_wait3A_715 = tpu.memref_slice %arg3[%add3A, %dma_wait3A_713, %dma_wait3A_714] : memref<32x11x8xi32, #tpu.memory_space<hbm>> -> memref<1x11x8xi32, #tpu.memory_space<hbm>>
      %dma_wait3A_716 = tpu.memref_squeeze %dma_wait3A_715 : memref<1x11x8xi32, #tpu.memory_space<hbm>> -> memref<11x8xi32, #tpu.memory_space<hbm>>
      %dma_wait3A_717 = arith.constant 0 : i32
      %dma_wait3A_718 = arith.constant 0 : i32
      %dma_wait3A_719 = tpu.memref_slice %arg3[%add3A, %dma_wait3A_717, %dma_wait3A_718] : memref<32x11x8xi32, #tpu.memory_space<hbm>> -> memref<1x11x8xi32, #tpu.memory_space<hbm>>
      %dma_wait3A_720 = tpu.memref_squeeze %dma_wait3A_719 : memref<1x11x8xi32, #tpu.memory_space<hbm>> -> memref<11x8xi32, #tpu.memory_space<hbm>>
      tpu.wait_dma2 semaphore(%run_scoped3A : memref<!tpu.dma_semaphore, #tpu.memory_space<semaphore_mem>>) src(%dma_wait3A_720 : memref<11x8xi32, #tpu.memory_space<hbm>>) dst(%arg5 : memref<11x8xi32, #tpu.memory_space<vmem>>)
      tpu.yield
    }) : () -> ()
    %dma_start3A = arith.constant 0 : i32
    %dma_start3A_3 = arith.constant 0 : i32
    %dma_start3A_4 = arith.constant 0 : i32
    %dma_start3A_5 = arith.constant 0 : i32
    %dma_start3A_6 = arith.constant 0 : i32
    %dma_start3A_7 = tpu.memref_slice %arg6[%dma_start3A_3, %dma_start3A_4, %dma_start3A_5, %dma_start3A_6] : memref<7x8x8x256xf32, #tpu.memory_space<vmem>> -> memref<1x8x8x256xf32, #tpu.memory_space<vmem>>
    %dma_start3A_8 = tpu.memref_squeeze %dma_start3A_7 : memref<1x8x8x256xf32, #tpu.memory_space<vmem>> -> memref<8x8x256xf32, #tpu.memory_space<vmem>>
    %dma_start3A_9 = arith.constant 0 : i32
    %dma_start3A_10 = tpu.memref_slice %arg5[%dma_start3A, %dma_start3A_9] : memref<11x8xi32, #tpu.memory_space<vmem>> -> memref<1x8xi32, #tpu.memory_space<vmem>>
    %dma_start3A_11 = tpu.memref_squeeze %dma_start3A_10 : memref<1x8xi32, #tpu.memory_space<vmem>> -> memref<8xi32, #tpu.memory_space<vmem>>
    %dma_start3A_12 = arith.constant 0 : i32
    %dma_start3A_13 = arith.constant 0 : i32
    %dma_start3A_14 = arith.constant 0 : i32
    %dma_start3A_15 = tpu.memref_slice %arg2[%dma_start3A_12, %dma_start3A_13, %dma_start3A_14] : memref<32032x8x256xf32, #tpu.memory_space<hbm>> -> memref<32032x8x256xf32, #tpu.memory_space<hbm>>
    tpu.enqueue_indirect_dma source(%dma_start3A_15 : memref<32032x8x256xf32, #tpu.memory_space<hbm>>) target(%dma_start3A_8 : memref<8x8x256xf32, #tpu.memory_space<vmem>>) offsets(%dma_start3A_11 : memref<8xi32, #tpu.memory_space<vmem>>) semaphore(%arg7 : memref<!tpu.dma_semaphore, #tpu.memory_space<semaphore_mem>>)
    %dma_start3A_16 = arith.constant 1 : i32
    %dma_start3A_17 = arith.constant 1 : i32
    %dma_start3A_18 = arith.constant 0 : i32
    %dma_start3A_19 = arith.constant 0 : i32
    %dma_start3A_20 = arith.constant 0 : i32
    %dma_start3A_21 = tpu.memref_slice %arg6[%dma_start3A_17, %dma_start3A_18, %dma_start3A_19, %dma_start3A_20] : memref<7x8x8x256xf32, #tpu.memory_space<vmem>> -> memref<1x8x8x256xf32, #tpu.memory_space<vmem>>
    %dma_start3A_22 = tpu.memref_squeeze %dma_start3A_21 : memref<1x8x8x256xf32, #tpu.memory_space<vmem>> -> memref<8x8x256xf32, #tpu.memory_space<vmem>>
    %dma_start3A_23 = arith.constant 0 : i32
    %dma_start3A_24 = tpu.memref_slice %arg5[%dma_start3A_16, %dma_start3A_23] : memref<11x8xi32, #tpu.memory_space<vmem>> -> memref<1x8xi32, #tpu.memory_space<vmem>>
    %dma_start3A_25 = tpu.memref_squeeze %dma_start3A_24 : memref<1x8xi32, #tpu.memory_space<vmem>> -> memref<8xi32, #tpu.memory_space<vmem>>
    %dma_start3A_26 = arith.constant 0 : i32
    %dma_start3A_27 = arith.constant 0 : i32
    %dma_start3A_28 = arith.constant 0 : i32
    %dma_start3A_29 = tpu.memref_slice %arg2[%dma_start3A_26, %dma_start3A_27, %dma_start3A_28] : memref<32032x8x256xf32, #tpu.memory_space<hbm>> -> memref<32032x8x256xf32, #tpu.memory_space<hbm>>
    tpu.enqueue_indirect_dma source(%dma_start3A_29 : memref<32032x8x256xf32, #tpu.memory_space<hbm>>) target(%dma_start3A_22 : memref<8x8x256xf32, #tpu.memory_space<vmem>>) offsets(%dma_start3A_25 : memref<8xi32, #tpu.memory_space<vmem>>) semaphore(%arg8 : memref<!tpu.dma_semaphore, #tpu.memory_space<semaphore_mem>>)
    %dma_start3A_30 = arith.constant 2 : i32
    %dma_start3A_31 = arith.constant 2 : i32
    %dma_start3A_32 = arith.constant 0 : i32
    %dma_start3A_33 = arith.constant 0 : i32
    %dma_start3A_34 = arith.constant 0 : i32
    %dma_start3A_35 = tpu.memref_slice %arg6[%dma_start3A_31, %dma_start3A_32, %dma_start3A_33, %dma_start3A_34] : memref<7x8x8x256xf32, #tpu.memory_space<vmem>> -> memref<1x8x8x256xf32, #tpu.memory_space<vmem>>
    %dma_start3A_36 = tpu.memref_squeeze %dma_start3A_35 : memref<1x8x8x256xf32, #tpu.memory_space<vmem>> -> memref<8x8x256xf32, #tpu.memory_space<vmem>>
    %dma_start3A_37 = arith.constant 0 : i32
    %dma_start3A_38 = tpu.memref_slice %arg5[%dma_start3A_30, %dma_start3A_37] : memref<11x8xi32, #tpu.memory_space<vmem>> -> memref<1x8xi32, #tpu.memory_space<vmem>>
    %dma_start3A_39 = tpu.memref_squeeze %dma_start3A_38 : memref<1x8xi32, #tpu.memory_space<vmem>> -> memref<8xi32, #tpu.memory_space<vmem>>
    %dma_start3A_40 = arith.constant 0 : i32
    %dma_start3A_41 = arith.constant 0 : i32
    %dma_start3A_42 = arith.constant 0 : i32
    %dma_start3A_43 = tpu.memref_slice %arg2[%dma_start3A_40, %dma_start3A_41, %dma_start3A_42] : memref<32032x8x256xf32, #tpu.memory_space<hbm>> -> memref<32032x8x256xf32, #tpu.memory_space<hbm>>
    tpu.enqueue_indirect_dma source(%dma_start3A_43 : memref<32032x8x256xf32, #tpu.memory_space<hbm>>) target(%dma_start3A_36 : memref<8x8x256xf32, #tpu.memory_space<vmem>>) offsets(%dma_start3A_39 : memref<8xi32, #tpu.memory_space<vmem>>) semaphore(%arg9 : memref<!tpu.dma_semaphore, #tpu.memory_space<semaphore_mem>>)
    %dma_start3A_44 = arith.constant 3 : i32
    %dma_start3A_45 = arith.constant 3 : i32
    %dma_start3A_46 = arith.constant 0 : i32
    %dma_start3A_47 = arith.constant 0 : i32
    %dma_start3A_48 = arith.constant 0 : i32
    %dma_start3A_49 = tpu.memref_slice %arg6[%dma_start3A_45, %dma_start3A_46, %dma_start3A_47, %dma_start3A_48] : memref<7x8x8x256xf32, #tpu.memory_space<vmem>> -> memref<1x8x8x256xf32, #tpu.memory_space<vmem>>
    %dma_start3A_50 = tpu.memref_squeeze %dma_start3A_49 : memref<1x8x8x256xf32, #tpu.memory_space<vmem>> -> memref<8x8x256xf32, #tpu.memory_space<vmem>>
    %dma_start3A_51 = arith.constant 0 : i32
    %dma_start3A_52 = tpu.memref_slice %arg5[%dma_start3A_44, %dma_start3A_51] : memref<11x8xi32, #tpu.memory_space<vmem>> -> memref<1x8xi32, #tpu.memory_space<vmem>>
    %dma_start3A_53 = tpu.memref_squeeze %dma_start3A_52 : memref<1x8xi32, #tpu.memory_space<vmem>> -> memref<8xi32, #tpu.memory_space<vmem>>
    %dma_start3A_54 = arith.constant 0 : i32
    %dma_start3A_55 = arith.constant 0 : i32
    %dma_start3A_56 = arith.constant 0 : i32
    %dma_start3A_57 = tpu.memref_slice %arg2[%dma_start3A_54, %dma_start3A_55, %dma_start3A_56] : memref<32032x8x256xf32, #tpu.memory_space<hbm>> -> memref<32032x8x256xf32, #tpu.memory_space<hbm>>
    tpu.enqueue_indirect_dma source(%dma_start3A_57 : memref<32032x8x256xf32, #tpu.memory_space<hbm>>) target(%dma_start3A_50 : memref<8x8x256xf32, #tpu.memory_space<vmem>>) offsets(%dma_start3A_53 : memref<8xi32, #tpu.memory_space<vmem>>) semaphore(%arg10 : memref<!tpu.dma_semaphore, #tpu.memory_space<semaphore_mem>>)
    %dma_start3A_58 = arith.constant 4 : i32
    %dma_start3A_59 = arith.constant 4 : i32
    %dma_start3A_60 = arith.constant 0 : i32
    %dma_start3A_61 = arith.constant 0 : i32
    %dma_start3A_62 = arith.constant 0 : i32
    %dma_start3A_63 = tpu.memref_slice %arg6[%dma_start3A_59, %dma_start3A_60, %dma_start3A_61, %dma_start3A_62] : memref<7x8x8x256xf32, #tpu.memory_space<vmem>> -> memref<1x8x8x256xf32, #tpu.memory_space<vmem>>
    %dma_start3A_64 = tpu.memref_squeeze %dma_start3A_63 : memref<1x8x8x256xf32, #tpu.memory_space<vmem>> -> memref<8x8x256xf32, #tpu.memory_space<vmem>>
    %dma_start3A_65 = arith.constant 0 : i32
    %dma_start3A_66 = tpu.memref_slice %arg5[%dma_start3A_58, %dma_start3A_65] : memref<11x8xi32, #tpu.memory_space<vmem>> -> memref<1x8xi32, #tpu.memory_space<vmem>>
    %dma_start3A_67 = tpu.memref_squeeze %dma_start3A_66 : memref<1x8xi32, #tpu.memory_space<vmem>> -> memref<8xi32, #tpu.memory_space<vmem>>
    %dma_start3A_68 = arith.constant 0 : i32
    %dma_start3A_69 = arith.constant 0 : i32
    %dma_start3A_70 = arith.constant 0 : i32
    %dma_start3A_71 = tpu.memref_slice %arg2[%dma_start3A_68, %dma_start3A_69, %dma_start3A_70] : memref<32032x8x256xf32, #tpu.memory_space<hbm>> -> memref<32032x8x256xf32, #tpu.memory_space<hbm>>
    tpu.enqueue_indirect_dma source(%dma_start3A_71 : memref<32032x8x256xf32, #tpu.memory_space<hbm>>) target(%dma_start3A_64 : memref<8x8x256xf32, #tpu.memory_space<vmem>>) offsets(%dma_start3A_67 : memref<8xi32, #tpu.memory_space<vmem>>) semaphore(%arg11 : memref<!tpu.dma_semaphore, #tpu.memory_space<semaphore_mem>>)
    %dma_wait3A = arith.constant 0 : i32
    %dma_wait3A_72 = arith.constant 0 : i32
    %dma_wait3A_73 = arith.constant 0 : i32
    %dma_wait3A_74 = arith.constant 0 : i32
    %dma_wait3A_75 = arith.constant 0 : i32
    %dma_wait3A_76 = tpu.memref_slice %arg6[%dma_wait3A_72, %dma_wait3A_73, %dma_wait3A_74, %dma_wait3A_75] : memref<7x8x8x256xf32, #tpu.memory_space<vmem>> -> memref<1x8x8x256xf32, #tpu.memory_space<vmem>>
    %dma_wait3A_77 = tpu.memref_squeeze %dma_wait3A_76 : memref<1x8x8x256xf32, #tpu.memory_space<vmem>> -> memref<8x8x256xf32, #tpu.memory_space<vmem>>
    %dma_wait3A_78 = arith.constant 0 : i32
    %dma_wait3A_79 = tpu.memref_slice %arg5[%dma_wait3A, %dma_wait3A_78] : memref<11x8xi32, #tpu.memory_space<vmem>> -> memref<1x8xi32, #tpu.memory_space<vmem>>
    %dma_wait3A_80 = tpu.memref_squeeze %dma_wait3A_79 : memref<1x8xi32, #tpu.memory_space<vmem>> -> memref<8xi32, #tpu.memory_space<vmem>>
    %dma_wait3A_81 = arith.constant 0 : i32
    %dma_wait3A_82 = arith.constant 0 : i32
    %dma_wait3A_83 = arith.constant 0 : i32
    %dma_wait3A_84 = tpu.memref_slice %arg2[%dma_wait3A_81, %dma_wait3A_82, %dma_wait3A_83] : memref<32032x8x256xf32, #tpu.memory_space<hbm>> -> memref<32032x8x256xf32, #tpu.memory_space<hbm>>
    tpu.wait_indirect_dma semaphore(%arg7 : memref<!tpu.dma_semaphore, #tpu.memory_space<semaphore_mem>>) src(%dma_wait3A_84 : memref<32032x8x256xf32, #tpu.memory_space<hbm>>) dst(%dma_wait3A_77 : memref<8x8x256xf32, #tpu.memory_space<vmem>>)
    %add3A_85 = arith.constant 0 : i32
    %add3A_86 = arith.addi %mul3A_2, %add3A_85 : i32
    %dma_start3A_87 = arith.constant 0 : i32
    %dma_start3A_88 = arith.constant 0 : i32
    %dma_start3A_89 = arith.constant 0 : i32
    %dma_start3A_90 = arith.constant 0 : i32
    %dma_start3A_91 = tpu.memref_slice %arg6[%dma_start3A_87, %dma_start3A_88, %dma_start3A_89, %dma_start3A_90] : memref<7x8x8x256xf32, #tpu.memory_space<vmem>> -> memref<1x8x8x256xf32, #tpu.memory_space<vmem>>
    %dma_start3A_92 = tpu.memref_squeeze %dma_start3A_91 : memref<1x8x8x256xf32, #tpu.memory_space<vmem>> -> memref<8x8x256xf32, #tpu.memory_space<vmem>>
    %dma_start3A_93 = arith.constant 0 : i32
    %dma_start3A_94 = arith.constant 0 : i32
    %dma_start3A_95 = tpu.memref_slice %arg4[%add3A_86, %dma_start3A_93, %dma_start3A_94] : memref<2816x8x256xf32, #tpu.memory_space<hbm>> -> memref<8x8x256xf32, #tpu.memory_space<hbm>>
    %dma_start3A_96 = arith.constant 0 : i32
    %dma_start3A_97 = arith.constant 0 : i32
    %dma_start3A_98 = tpu.memref_slice %arg4[%add3A_86, %dma_start3A_96, %dma_start3A_97] : memref<2816x8x256xf32, #tpu.memory_space<hbm>> -> memref<8x8x256xf32, #tpu.memory_space<hbm>>
    %dma_start3A_99 = arith.constant 0 : i32
    %dma_start3A_100 = arith.constant 0 : i32
    %dma_start3A_101 = arith.constant 0 : i32
    %dma_start3A_102 = tpu.memref_slice %arg6[%dma_start3A_87, %dma_start3A_99, %dma_start3A_100, %dma_start3A_101] : memref<7x8x8x256xf32, #tpu.memory_space<vmem>> -> memref<1x8x8x256xf32, #tpu.memory_space<vmem>>
    %dma_start3A_103 = tpu.memref_squeeze %dma_start3A_102 : memref<1x8x8x256xf32, #tpu.memory_space<vmem>> -> memref<8x8x256xf32, #tpu.memory_space<vmem>>
    tpu.enqueue_dma source(%dma_start3A_103 : memref<8x8x256xf32, #tpu.memory_space<vmem>>) target(%dma_start3A_98 : memref<8x8x256xf32, #tpu.memory_space<hbm>>) target_semaphore(%arg14 : memref<!tpu.dma_semaphore, #tpu.memory_space<semaphore_mem>>)
    %dma_start3A_104 = arith.constant 5 : i32
    %dma_start3A_105 = arith.constant 5 : i32
    %dma_start3A_106 = arith.constant 0 : i32
    %dma_start3A_107 = arith.constant 0 : i32
    %dma_start3A_108 = arith.constant 0 : i32
    %dma_start3A_109 = tpu.memref_slice %arg6[%dma_start3A_105, %dma_start3A_106, %dma_start3A_107, %dma_start3A_108] : memref<7x8x8x256xf32, #tpu.memory_space<vmem>> -> memref<1x8x8x256xf32, #tpu.memory_space<vmem>>
    %dma_start3A_110 = tpu.memref_squeeze %dma_start3A_109 : memref<1x8x8x256xf32, #tpu.memory_space<vmem>> -> memref<8x8x256xf32, #tpu.memory_space<vmem>>
    %dma_start3A_111 = arith.constant 0 : i32
    %dma_start3A_112 = tpu.memref_slice %arg5[%dma_start3A_104, %dma_start3A_111] : memref<11x8xi32, #tpu.memory_space<vmem>> -> memref<1x8xi32, #tpu.memory_space<vmem>>
    %dma_start3A_113 = tpu.memref_squeeze %dma_start3A_112 : memref<1x8xi32, #tpu.memory_space<vmem>> -> memref<8xi32, #tpu.memory_space<vmem>>
    %dma_start3A_114 = arith.constant 0 : i32
    %dma_start3A_115 = arith.constant 0 : i32
    %dma_start3A_116 = arith.constant 0 : i32
    %dma_start3A_117 = tpu.memref_slice %arg2[%dma_start3A_114, %dma_start3A_115, %dma_start3A_116] : memref<32032x8x256xf32, #tpu.memory_space<hbm>> -> memref<32032x8x256xf32, #tpu.memory_space<hbm>>
    tpu.enqueue_indirect_dma source(%dma_start3A_117 : memref<32032x8x256xf32, #tpu.memory_space<hbm>>) target(%dma_start3A_110 : memref<8x8x256xf32, #tpu.memory_space<vmem>>) offsets(%dma_start3A_113 : memref<8xi32, #tpu.memory_space<vmem>>) semaphore(%arg12 : memref<!tpu.dma_semaphore, #tpu.memory_space<semaphore_mem>>)
    %dma_wait3A_118 = arith.constant 1 : i32
    %dma_wait3A_119 = arith.constant 1 : i32
    %dma_wait3A_120 = arith.constant 0 : i32
    %dma_wait3A_121 = arith.constant 0 : i32
    %dma_wait3A_122 = arith.constant 0 : i32
    %dma_wait3A_123 = tpu.memref_slice %arg6[%dma_wait3A_119, %dma_wait3A_120, %dma_wait3A_121, %dma_wait3A_122] : memref<7x8x8x256xf32, #tpu.memory_space<vmem>> -> memref<1x8x8x256xf32, #tpu.memory_space<vmem>>
    %dma_wait3A_124 = tpu.memref_squeeze %dma_wait3A_123 : memref<1x8x8x256xf32, #tpu.memory_space<vmem>> -> memref<8x8x256xf32, #tpu.memory_space<vmem>>
    %dma_wait3A_125 = arith.constant 0 : i32
    %dma_wait3A_126 = tpu.memref_slice %arg5[%dma_wait3A_118, %dma_wait3A_125] : memref<11x8xi32, #tpu.memory_space<vmem>> -> memref<1x8xi32, #tpu.memory_space<vmem>>
    %dma_wait3A_127 = tpu.memref_squeeze %dma_wait3A_126 : memref<1x8xi32, #tpu.memory_space<vmem>> -> memref<8xi32, #tpu.memory_space<vmem>>
    %dma_wait3A_128 = arith.constant 0 : i32
    %dma_wait3A_129 = arith.constant 0 : i32
    %dma_wait3A_130 = arith.constant 0 : i32
    %dma_wait3A_131 = tpu.memref_slice %arg2[%dma_wait3A_128, %dma_wait3A_129, %dma_wait3A_130] : memref<32032x8x256xf32, #tpu.memory_space<hbm>> -> memref<32032x8x256xf32, #tpu.memory_space<hbm>>
    tpu.wait_indirect_dma semaphore(%arg8 : memref<!tpu.dma_semaphore, #tpu.memory_space<semaphore_mem>>) src(%dma_wait3A_131 : memref<32032x8x256xf32, #tpu.memory_space<hbm>>) dst(%dma_wait3A_124 : memref<8x8x256xf32, #tpu.memory_space<vmem>>)
    %add3A_132 = arith.constant 8 : i32
    %add3A_133 = arith.addi %mul3A_2, %add3A_132 : i32
    %dma_start3A_134 = arith.constant 1 : i32
    %dma_start3A_135 = arith.constant 0 : i32
    %dma_start3A_136 = arith.constant 0 : i32
    %dma_start3A_137 = arith.constant 0 : i32
    %dma_start3A_138 = tpu.memref_slice %arg6[%dma_start3A_134, %dma_start3A_135, %dma_start3A_136, %dma_start3A_137] : memref<7x8x8x256xf32, #tpu.memory_space<vmem>> -> memref<1x8x8x256xf32, #tpu.memory_space<vmem>>
    %dma_start3A_139 = tpu.memref_squeeze %dma_start3A_138 : memref<1x8x8x256xf32, #tpu.memory_space<vmem>> -> memref<8x8x256xf32, #tpu.memory_space<vmem>>
    %dma_start3A_140 = arith.constant 0 : i32
    %dma_start3A_141 = arith.constant 0 : i32
    %dma_start3A_142 = tpu.memref_slice %arg4[%add3A_133, %dma_start3A_140, %dma_start3A_141] : memref<2816x8x256xf32, #tpu.memory_space<hbm>> -> memref<8x8x256xf32, #tpu.memory_space<hbm>>
    %dma_start3A_143 = arith.constant 0 : i32
    %dma_start3A_144 = arith.constant 0 : i32
    %dma_start3A_145 = tpu.memref_slice %arg4[%add3A_133, %dma_start3A_143, %dma_start3A_144] : memref<2816x8x256xf32, #tpu.memory_space<hbm>> -> memref<8x8x256xf32, #tpu.memory_space<hbm>>
    %dma_start3A_146 = arith.constant 0 : i32
    %dma_start3A_147 = arith.constant 0 : i32
    %dma_start3A_148 = arith.constant 0 : i32
    %dma_start3A_149 = tpu.memref_slice %arg6[%dma_start3A_134, %dma_start3A_146, %dma_start3A_147, %dma_start3A_148] : memref<7x8x8x256xf32, #tpu.memory_space<vmem>> -> memref<1x8x8x256xf32, #tpu.memory_space<vmem>>
    %dma_start3A_150 = tpu.memref_squeeze %dma_start3A_149 : memref<1x8x8x256xf32, #tpu.memory_space<vmem>> -> memref<8x8x256xf32, #tpu.memory_space<vmem>>
    tpu.enqueue_dma source(%dma_start3A_150 : memref<8x8x256xf32, #tpu.memory_space<vmem>>) target(%dma_start3A_145 : memref<8x8x256xf32, #tpu.memory_space<hbm>>) target_semaphore(%arg15 : memref<!tpu.dma_semaphore, #tpu.memory_space<semaphore_mem>>)
    %dma_start3A_151 = arith.constant 6 : i32
    %dma_start3A_152 = arith.constant 6 : i32
    %dma_start3A_153 = arith.constant 0 : i32
    %dma_start3A_154 = arith.constant 0 : i32
    %dma_start3A_155 = arith.constant 0 : i32
    %dma_start3A_156 = tpu.memref_slice %arg6[%dma_start3A_152, %dma_start3A_153, %dma_start3A_154, %dma_start3A_155] : memref<7x8x8x256xf32, #tpu.memory_space<vmem>> -> memref<1x8x8x256xf32, #tpu.memory_space<vmem>>
    %dma_start3A_157 = tpu.memref_squeeze %dma_start3A_156 : memref<1x8x8x256xf32, #tpu.memory_space<vmem>> -> memref<8x8x256xf32, #tpu.memory_space<vmem>>
    %dma_start3A_158 = arith.constant 0 : i32
    %dma_start3A_159 = tpu.memref_slice %arg5[%dma_start3A_151, %dma_start3A_158] : memref<11x8xi32, #tpu.memory_space<vmem>> -> memref<1x8xi32, #tpu.memory_space<vmem>>
    %dma_start3A_160 = tpu.memref_squeeze %dma_start3A_159 : memref<1x8xi32, #tpu.memory_space<vmem>> -> memref<8xi32, #tpu.memory_space<vmem>>
    %dma_start3A_161 = arith.constant 0 : i32
    %dma_start3A_162 = arith.constant 0 : i32
    %dma_start3A_163 = arith.constant 0 : i32
    %dma_start3A_164 = tpu.memref_slice %arg2[%dma_start3A_161, %dma_start3A_162, %dma_start3A_163] : memref<32032x8x256xf32, #tpu.memory_space<hbm>> -> memref<32032x8x256xf32, #tpu.memory_space<hbm>>
    tpu.enqueue_indirect_dma source(%dma_start3A_164 : memref<32032x8x256xf32, #tpu.memory_space<hbm>>) target(%dma_start3A_157 : memref<8x8x256xf32, #tpu.memory_space<vmem>>) offsets(%dma_start3A_160 : memref<8xi32, #tpu.memory_space<vmem>>) semaphore(%arg13 : memref<!tpu.dma_semaphore, #tpu.memory_space<semaphore_mem>>)
    %dma_wait3A_165 = arith.constant 2 : i32
    %dma_wait3A_166 = arith.constant 2 : i32
    %dma_wait3A_167 = arith.constant 0 : i32
    %dma_wait3A_168 = arith.constant 0 : i32
    %dma_wait3A_169 = arith.constant 0 : i32
    %dma_wait3A_170 = tpu.memref_slice %arg6[%dma_wait3A_166, %dma_wait3A_167, %dma_wait3A_168, %dma_wait3A_169] : memref<7x8x8x256xf32, #tpu.memory_space<vmem>> -> memref<1x8x8x256xf32, #tpu.memory_space<vmem>>
    %dma_wait3A_171 = tpu.memref_squeeze %dma_wait3A_170 : memref<1x8x8x256xf32, #tpu.memory_space<vmem>> -> memref<8x8x256xf32, #tpu.memory_space<vmem>>
    %dma_wait3A_172 = arith.constant 0 : i32
    %dma_wait3A_173 = tpu.memref_slice %arg5[%dma_wait3A_165, %dma_wait3A_172] : memref<11x8xi32, #tpu.memory_space<vmem>> -> memref<1x8xi32, #tpu.memory_space<vmem>>
    %dma_wait3A_174 = tpu.memref_squeeze %dma_wait3A_173 : memref<1x8xi32, #tpu.memory_space<vmem>> -> memref<8xi32, #tpu.memory_space<vmem>>
    %dma_wait3A_175 = arith.constant 0 : i32
    %dma_wait3A_176 = arith.constant 0 : i32
    %dma_wait3A_177 = arith.constant 0 : i32
    %dma_wait3A_178 = tpu.memref_slice %arg2[%dma_wait3A_175, %dma_wait3A_176, %dma_wait3A_177] : memref<32032x8x256xf32, #tpu.memory_space<hbm>> -> memref<32032x8x256xf32, #tpu.memory_space<hbm>>
    tpu.wait_indirect_dma semaphore(%arg9 : memref<!tpu.dma_semaphore, #tpu.memory_space<semaphore_mem>>) src(%dma_wait3A_178 : memref<32032x8x256xf32, #tpu.memory_space<hbm>>) dst(%dma_wait3A_171 : memref<8x8x256xf32, #tpu.memory_space<vmem>>)
    %add3A_179 = arith.constant 16 : i32
    %add3A_180 = arith.addi %mul3A_2, %add3A_179 : i32
    %dma_start3A_181 = arith.constant 2 : i32
    %dma_start3A_182 = arith.constant 0 : i32
    %dma_start3A_183 = arith.constant 0 : i32
    %dma_start3A_184 = arith.constant 0 : i32
    %dma_start3A_185 = tpu.memref_slice %arg6[%dma_start3A_181, %dma_start3A_182, %dma_start3A_183, %dma_start3A_184] : memref<7x8x8x256xf32, #tpu.memory_space<vmem>> -> memref<1x8x8x256xf32, #tpu.memory_space<vmem>>
    %dma_start3A_186 = tpu.memref_squeeze %dma_start3A_185 : memref<1x8x8x256xf32, #tpu.memory_space<vmem>> -> memref<8x8x256xf32, #tpu.memory_space<vmem>>
    %dma_start3A_187 = arith.constant 0 : i32
    %dma_start3A_188 = arith.constant 0 : i32
    %dma_start3A_189 = tpu.memref_slice %arg4[%add3A_180, %dma_start3A_187, %dma_start3A_188] : memref<2816x8x256xf32, #tpu.memory_space<hbm>> -> memref<8x8x256xf32, #tpu.memory_space<hbm>>
    %dma_start3A_190 = arith.constant 0 : i32
    %dma_start3A_191 = arith.constant 0 : i32
    %dma_start3A_192 = tpu.memref_slice %arg4[%add3A_180, %dma_start3A_190, %dma_start3A_191] : memref<2816x8x256xf32, #tpu.memory_space<hbm>> -> memref<8x8x256xf32, #tpu.memory_space<hbm>>
    %dma_start3A_193 = arith.constant 0 : i32
    %dma_start3A_194 = arith.constant 0 : i32
    %dma_start3A_195 = arith.constant 0 : i32
    %dma_start3A_196 = tpu.memref_slice %arg6[%dma_start3A_181, %dma_start3A_193, %dma_start3A_194, %dma_start3A_195] : memref<7x8x8x256xf32, #tpu.memory_space<vmem>> -> memref<1x8x8x256xf32, #tpu.memory_space<vmem>>
    %dma_start3A_197 = tpu.memref_squeeze %dma_start3A_196 : memref<1x8x8x256xf32, #tpu.memory_space<vmem>> -> memref<8x8x256xf32, #tpu.memory_space<vmem>>
    tpu.enqueue_dma source(%dma_start3A_197 : memref<8x8x256xf32, #tpu.memory_space<vmem>>) target(%dma_start3A_192 : memref<8x8x256xf32, #tpu.memory_space<hbm>>) target_semaphore(%arg16 : memref<!tpu.dma_semaphore, #tpu.memory_space<semaphore_mem>>)
    %dma_wait3A_198 = arith.constant 0 : i32
    %dma_wait3A_199 = arith.constant 0 : i32
    %dma_wait3A_200 = arith.constant 0 : i32
    %dma_wait3A_201 = arith.constant 0 : i32
    %dma_wait3A_202 = tpu.memref_slice %arg6[%dma_wait3A_198, %dma_wait3A_199, %dma_wait3A_200, %dma_wait3A_201] : memref<7x8x8x256xf32, #tpu.memory_space<vmem>> -> memref<1x8x8x256xf32, #tpu.memory_space<vmem>>
    %dma_wait3A_203 = tpu.memref_squeeze %dma_wait3A_202 : memref<1x8x8x256xf32, #tpu.memory_space<vmem>> -> memref<8x8x256xf32, #tpu.memory_space<vmem>>
    %dma_wait3A_204 = arith.constant 0 : i32
    %dma_wait3A_205 = arith.constant 0 : i32
    %dma_wait3A_206 = tpu.memref_slice %arg4[%add3A_86, %dma_wait3A_204, %dma_wait3A_205] : memref<2816x8x256xf32, #tpu.memory_space<hbm>> -> memref<8x8x256xf32, #tpu.memory_space<hbm>>
    %dma_wait3A_207 = arith.constant 0 : i32
    %dma_wait3A_208 = arith.constant 0 : i32
    %dma_wait3A_209 = tpu.memref_slice %arg4[%add3A_86, %dma_wait3A_207, %dma_wait3A_208] : memref<2816x8x256xf32, #tpu.memory_space<hbm>> -> memref<8x8x256xf32, #tpu.memory_space<hbm>>
    %dma_wait3A_210 = arith.constant 0 : i32
    %dma_wait3A_211 = arith.constant 0 : i32
    %dma_wait3A_212 = arith.constant 0 : i32
    %dma_wait3A_213 = tpu.memref_slice %arg6[%dma_wait3A_198, %dma_wait3A_210, %dma_wait3A_211, %dma_wait3A_212] : memref<7x8x8x256xf32, #tpu.memory_space<vmem>> -> memref<1x8x8x256xf32, #tpu.memory_space<vmem>>
    %dma_wait3A_214 = tpu.memref_squeeze %dma_wait3A_213 : memref<1x8x8x256xf32, #tpu.memory_space<vmem>> -> memref<8x8x256xf32, #tpu.memory_space<vmem>>
    tpu.wait_dma2 semaphore(%arg14 : memref<!tpu.dma_semaphore, #tpu.memory_space<semaphore_mem>>) src(%dma_wait3A_214 : memref<8x8x256xf32, #tpu.memory_space<vmem>>) dst(%dma_wait3A_209 : memref<8x8x256xf32, #tpu.memory_space<hbm>>)
    %dma_start3A_215 = arith.constant 7 : i32
    %dma_start3A_216 = arith.constant 0 : i32
    %dma_start3A_217 = arith.constant 0 : i32
    %dma_start3A_218 = arith.constant 0 : i32
    %dma_start3A_219 = arith.constant 0 : i32
    %dma_start3A_220 = tpu.memref_slice %arg6[%dma_start3A_216, %dma_start3A_217, %dma_start3A_218, %dma_start3A_219] : memref<7x8x8x256xf32, #tpu.memory_space<vmem>> -> memref<1x8x8x256xf32, #tpu.memory_space<vmem>>
    %dma_start3A_221 = tpu.memref_squeeze %dma_start3A_220 : memref<1x8x8x256xf32, #tpu.memory_space<vmem>> -> memref<8x8x256xf32, #tpu.memory_space<vmem>>
    %dma_start3A_222 = arith.constant 0 : i32
    %dma_start3A_223 = tpu.memref_slice %arg5[%dma_start3A_215, %dma_start3A_222] : memref<11x8xi32, #tpu.memory_space<vmem>> -> memref<1x8xi32, #tpu.memory_space<vmem>>
    %dma_start3A_224 = tpu.memref_squeeze %dma_start3A_223 : memref<1x8xi32, #tpu.memory_space<vmem>> -> memref<8xi32, #tpu.memory_space<vmem>>
    %dma_start3A_225 = arith.constant 0 : i32
    %dma_start3A_226 = arith.constant 0 : i32
    %dma_start3A_227 = arith.constant 0 : i32
    %dma_start3A_228 = tpu.memref_slice %arg2[%dma_start3A_225, %dma_start3A_226, %dma_start3A_227] : memref<32032x8x256xf32, #tpu.memory_space<hbm>> -> memref<32032x8x256xf32, #tpu.memory_space<hbm>>
    tpu.enqueue_indirect_dma source(%dma_start3A_228 : memref<32032x8x256xf32, #tpu.memory_space<hbm>>) target(%dma_start3A_221 : memref<8x8x256xf32, #tpu.memory_space<vmem>>) offsets(%dma_start3A_224 : memref<8xi32, #tpu.memory_space<vmem>>) semaphore(%arg7 : memref<!tpu.dma_semaphore, #tpu.memory_space<semaphore_mem>>)
    %dma_wait3A_229 = arith.constant 3 : i32
    %dma_wait3A_230 = arith.constant 3 : i32
    %dma_wait3A_231 = arith.constant 0 : i32
    %dma_wait3A_232 = arith.constant 0 : i32
    %dma_wait3A_233 = arith.constant 0 : i32
    %dma_wait3A_234 = tpu.memref_slice %arg6[%dma_wait3A_230, %dma_wait3A_231, %dma_wait3A_232, %dma_wait3A_233] : memref<7x8x8x256xf32, #tpu.memory_space<vmem>> -> memref<1x8x8x256xf32, #tpu.memory_space<vmem>>
    %dma_wait3A_235 = tpu.memref_squeeze %dma_wait3A_234 : memref<1x8x8x256xf32, #tpu.memory_space<vmem>> -> memref<8x8x256xf32, #tpu.memory_space<vmem>>
    %dma_wait3A_236 = arith.constant 0 : i32
    %dma_wait3A_237 = tpu.memref_slice %arg5[%dma_wait3A_229, %dma_wait3A_236] : memref<11x8xi32, #tpu.memory_space<vmem>> -> memref<1x8xi32, #tpu.memory_space<vmem>>
    %dma_wait3A_238 = tpu.memref_squeeze %dma_wait3A_237 : memref<1x8xi32, #tpu.memory_space<vmem>> -> memref<8xi32, #tpu.memory_space<vmem>>
    %dma_wait3A_239 = arith.constant 0 : i32
    %dma_wait3A_240 = arith.constant 0 : i32
    %dma_wait3A_241 = arith.constant 0 : i32
    %dma_wait3A_242 = tpu.memref_slice %arg2[%dma_wait3A_239, %dma_wait3A_240, %dma_wait3A_241] : memref<32032x8x256xf32, #tpu.memory_space<hbm>> -> memref<32032x8x256xf32, #tpu.memory_space<hbm>>
    tpu.wait_indirect_dma semaphore(%arg10 : memref<!tpu.dma_semaphore, #tpu.memory_space<semaphore_mem>>) src(%dma_wait3A_242 : memref<32032x8x256xf32, #tpu.memory_space<hbm>>) dst(%dma_wait3A_235 : memref<8x8x256xf32, #tpu.memory_space<vmem>>)
    %add3A_243 = arith.constant 24 : i32
    %add3A_244 = arith.addi %mul3A_2, %add3A_243 : i32
    %dma_start3A_245 = arith.constant 3 : i32
    %dma_start3A_246 = arith.constant 0 : i32
    %dma_start3A_247 = arith.constant 0 : i32
    %dma_start3A_248 = arith.constant 0 : i32
    %dma_start3A_249 = tpu.memref_slice %arg6[%dma_start3A_245, %dma_start3A_246, %dma_start3A_247, %dma_start3A_248] : memref<7x8x8x256xf32, #tpu.memory_space<vmem>> -> memref<1x8x8x256xf32, #tpu.memory_space<vmem>>
    %dma_start3A_250 = tpu.memref_squeeze %dma_start3A_249 : memref<1x8x8x256xf32, #tpu.memory_space<vmem>> -> memref<8x8x256xf32, #tpu.memory_space<vmem>>
    %dma_start3A_251 = arith.constant 0 : i32
    %dma_start3A_252 = arith.constant 0 : i32
    %dma_start3A_253 = tpu.memref_slice %arg4[%add3A_244, %dma_start3A_251, %dma_start3A_252] : memref<2816x8x256xf32, #tpu.memory_space<hbm>> -> memref<8x8x256xf32, #tpu.memory_space<hbm>>
    %dma_start3A_254 = arith.constant 0 : i32
    %dma_start3A_255 = arith.constant 0 : i32
    %dma_start3A_256 = tpu.memref_slice %arg4[%add3A_244, %dma_start3A_254, %dma_start3A_255] : memref<2816x8x256xf32, #tpu.memory_space<hbm>> -> memref<8x8x256xf32, #tpu.memory_space<hbm>>
    %dma_start3A_257 = arith.constant 0 : i32
    %dma_start3A_258 = arith.constant 0 : i32
    %dma_start3A_259 = arith.constant 0 : i32
    %dma_start3A_260 = tpu.memref_slice %arg6[%dma_start3A_245, %dma_start3A_257, %dma_start3A_258, %dma_start3A_259] : memref<7x8x8x256xf32, #tpu.memory_space<vmem>> -> memref<1x8x8x256xf32, #tpu.memory_space<vmem>>
    %dma_start3A_261 = tpu.memref_squeeze %dma_start3A_260 : memref<1x8x8x256xf32, #tpu.memory_space<vmem>> -> memref<8x8x256xf32, #tpu.memory_space<vmem>>
    tpu.enqueue_dma source(%dma_start3A_261 : memref<8x8x256xf32, #tpu.memory_space<vmem>>) target(%dma_start3A_256 : memref<8x8x256xf32, #tpu.memory_space<hbm>>) target_semaphore(%arg17 : memref<!tpu.dma_semaphore, #tpu.memory_space<semaphore_mem>>)
    %dma_wait3A_262 = arith.constant 1 : i32
    %dma_wait3A_263 = arith.constant 0 : i32
    %dma_wait3A_264 = arith.constant 0 : i32
    %dma_wait3A_265 = arith.constant 0 : i32
    %dma_wait3A_266 = tpu.memref_slice %arg6[%dma_wait3A_262, %dma_wait3A_263, %dma_wait3A_264, %dma_wait3A_265] : memref<7x8x8x256xf32, #tpu.memory_space<vmem>> -> memref<1x8x8x256xf32, #tpu.memory_space<vmem>>
    %dma_wait3A_267 = tpu.memref_squeeze %dma_wait3A_266 : memref<1x8x8x256xf32, #tpu.memory_space<vmem>> -> memref<8x8x256xf32, #tpu.memory_space<vmem>>
    %dma_wait3A_268 = arith.constant 0 : i32
    %dma_wait3A_269 = arith.constant 0 : i32
    %dma_wait3A_270 = tpu.memref_slice %arg4[%add3A_133, %dma_wait3A_268, %dma_wait3A_269] : memref<2816x8x256xf32, #tpu.memory_space<hbm>> -> memref<8x8x256xf32, #tpu.memory_space<hbm>>
    %dma_wait3A_271 = arith.constant 0 : i32
    %dma_wait3A_272 = arith.constant 0 : i32
    %dma_wait3A_273 = tpu.memref_slice %arg4[%add3A_133, %dma_wait3A_271, %dma_wait3A_272] : memref<2816x8x256xf32, #tpu.memory_space<hbm>> -> memref<8x8x256xf32, #tpu.memory_space<hbm>>
    %dma_wait3A_274 = arith.constant 0 : i32
    %dma_wait3A_275 = arith.constant 0 : i32
    %dma_wait3A_276 = arith.constant 0 : i32
    %dma_wait3A_277 = tpu.memref_slice %arg6[%dma_wait3A_262, %dma_wait3A_274, %dma_wait3A_275, %dma_wait3A_276] : memref<7x8x8x256xf32, #tpu.memory_space<vmem>> -> memref<1x8x8x256xf32, #tpu.memory_space<vmem>>
    %dma_wait3A_278 = tpu.memref_squeeze %dma_wait3A_277 : memref<1x8x8x256xf32, #tpu.memory_space<vmem>> -> memref<8x8x256xf32, #tpu.memory_space<vmem>>
    tpu.wait_dma2 semaphore(%arg15 : memref<!tpu.dma_semaphore, #tpu.memory_space<semaphore_mem>>) src(%dma_wait3A_278 : memref<8x8x256xf32, #tpu.memory_space<vmem>>) dst(%dma_wait3A_273 : memref<8x8x256xf32, #tpu.memory_space<hbm>>)
    %dma_start3A_279 = arith.constant 8 : i32
    %dma_start3A_280 = arith.constant 1 : i32
    %dma_start3A_281 = arith.constant 0 : i32
    %dma_start3A_282 = arith.constant 0 : i32
    %dma_start3A_283 = arith.constant 0 : i32
    %dma_start3A_284 = tpu.memref_slice %arg6[%dma_start3A_280, %dma_start3A_281, %dma_start3A_282, %dma_start3A_283] : memref<7x8x8x256xf32, #tpu.memory_space<vmem>> -> memref<1x8x8x256xf32, #tpu.memory_space<vmem>>
    %dma_start3A_285 = tpu.memref_squeeze %dma_start3A_284 : memref<1x8x8x256xf32, #tpu.memory_space<vmem>> -> memref<8x8x256xf32, #tpu.memory_space<vmem>>
    %dma_start3A_286 = arith.constant 0 : i32
    %dma_start3A_287 = tpu.memref_slice %arg5[%dma_start3A_279, %dma_start3A_286] : memref<11x8xi32, #tpu.memory_space<vmem>> -> memref<1x8xi32, #tpu.memory_space<vmem>>
    %dma_start3A_288 = tpu.memref_squeeze %dma_start3A_287 : memref<1x8xi32, #tpu.memory_space<vmem>> -> memref<8xi32, #tpu.memory_space<vmem>>
    %dma_start3A_289 = arith.constant 0 : i32
    %dma_start3A_290 = arith.constant 0 : i32
    %dma_start3A_291 = arith.constant 0 : i32
    %dma_start3A_292 = tpu.memref_slice %arg2[%dma_start3A_289, %dma_start3A_290, %dma_start3A_291] : memref<32032x8x256xf32, #tpu.memory_space<hbm>> -> memref<32032x8x256xf32, #tpu.memory_space<hbm>>
    tpu.enqueue_indirect_dma source(%dma_start3A_292 : memref<32032x8x256xf32, #tpu.memory_space<hbm>>) target(%dma_start3A_285 : memref<8x8x256xf32, #tpu.memory_space<vmem>>) offsets(%dma_start3A_288 : memref<8xi32, #tpu.memory_space<vmem>>) semaphore(%arg8 : memref<!tpu.dma_semaphore, #tpu.memory_space<semaphore_mem>>)
    %dma_wait3A_293 = arith.constant 4 : i32
    %dma_wait3A_294 = arith.constant 4 : i32
    %dma_wait3A_295 = arith.constant 0 : i32
    %dma_wait3A_296 = arith.constant 0 : i32
    %dma_wait3A_297 = arith.constant 0 : i32
    %dma_wait3A_298 = tpu.memref_slice %arg6[%dma_wait3A_294, %dma_wait3A_295, %dma_wait3A_296, %dma_wait3A_297] : memref<7x8x8x256xf32, #tpu.memory_space<vmem>> -> memref<1x8x8x256xf32, #tpu.memory_space<vmem>>
    %dma_wait3A_299 = tpu.memref_squeeze %dma_wait3A_298 : memref<1x8x8x256xf32, #tpu.memory_space<vmem>> -> memref<8x8x256xf32, #tpu.memory_space<vmem>>
    %dma_wait3A_300 = arith.constant 0 : i32
    %dma_wait3A_301 = tpu.memref_slice %arg5[%dma_wait3A_293, %dma_wait3A_300] : memref<11x8xi32, #tpu.memory_space<vmem>> -> memref<1x8xi32, #tpu.memory_space<vmem>>
    %dma_wait3A_302 = tpu.memref_squeeze %dma_wait3A_301 : memref<1x8xi32, #tpu.memory_space<vmem>> -> memref<8xi32, #tpu.memory_space<vmem>>
    %dma_wait3A_303 = arith.constant 0 : i32
    %dma_wait3A_304 = arith.constant 0 : i32
    %dma_wait3A_305 = arith.constant 0 : i32
    %dma_wait3A_306 = tpu.memref_slice %arg2[%dma_wait3A_303, %dma_wait3A_304, %dma_wait3A_305] : memref<32032x8x256xf32, #tpu.memory_space<hbm>> -> memref<32032x8x256xf32, #tpu.memory_space<hbm>>
    tpu.wait_indirect_dma semaphore(%arg11 : memref<!tpu.dma_semaphore, #tpu.memory_space<semaphore_mem>>) src(%dma_wait3A_306 : memref<32032x8x256xf32, #tpu.memory_space<hbm>>) dst(%dma_wait3A_299 : memref<8x8x256xf32, #tpu.memory_space<vmem>>)
    %add3A_307 = arith.constant 32 : i32
    %add3A_308 = arith.addi %mul3A_2, %add3A_307 : i32
    %dma_start3A_309 = arith.constant 4 : i32
    %dma_start3A_310 = arith.constant 0 : i32
    %dma_start3A_311 = arith.constant 0 : i32
    %dma_start3A_312 = arith.constant 0 : i32
    %dma_start3A_313 = tpu.memref_slice %arg6[%dma_start3A_309, %dma_start3A_310, %dma_start3A_311, %dma_start3A_312] : memref<7x8x8x256xf32, #tpu.memory_space<vmem>> -> memref<1x8x8x256xf32, #tpu.memory_space<vmem>>
    %dma_start3A_314 = tpu.memref_squeeze %dma_start3A_313 : memref<1x8x8x256xf32, #tpu.memory_space<vmem>> -> memref<8x8x256xf32, #tpu.memory_space<vmem>>
    %dma_start3A_315 = arith.constant 0 : i32
    %dma_start3A_316 = arith.constant 0 : i32
    %dma_start3A_317 = tpu.memref_slice %arg4[%add3A_308, %dma_start3A_315, %dma_start3A_316] : memref<2816x8x256xf32, #tpu.memory_space<hbm>> -> memref<8x8x256xf32, #tpu.memory_space<hbm>>
    %dma_start3A_318 = arith.constant 0 : i32
    %dma_start3A_319 = arith.constant 0 : i32
    %dma_start3A_320 = tpu.memref_slice %arg4[%add3A_308, %dma_start3A_318, %dma_start3A_319] : memref<2816x8x256xf32, #tpu.memory_space<hbm>> -> memref<8x8x256xf32, #tpu.memory_space<hbm>>
    %dma_start3A_321 = arith.constant 0 : i32
    %dma_start3A_322 = arith.constant 0 : i32
    %dma_start3A_323 = arith.constant 0 : i32
    %dma_start3A_324 = tpu.memref_slice %arg6[%dma_start3A_309, %dma_start3A_321, %dma_start3A_322, %dma_start3A_323] : memref<7x8x8x256xf32, #tpu.memory_space<vmem>> -> memref<1x8x8x256xf32, #tpu.memory_space<vmem>>
    %dma_start3A_325 = tpu.memref_squeeze %dma_start3A_324 : memref<1x8x8x256xf32, #tpu.memory_space<vmem>> -> memref<8x8x256xf32, #tpu.memory_space<vmem>>
    tpu.enqueue_dma source(%dma_start3A_325 : memref<8x8x256xf32, #tpu.memory_space<vmem>>) target(%dma_start3A_320 : memref<8x8x256xf32, #tpu.memory_space<hbm>>) target_semaphore(%arg18 : memref<!tpu.dma_semaphore, #tpu.memory_space<semaphore_mem>>)
    %dma_wait3A_326 = arith.constant 2 : i32
    %dma_wait3A_327 = arith.constant 0 : i32
    %dma_wait3A_328 = arith.constant 0 : i32
    %dma_wait3A_329 = arith.constant 0 : i32
    %dma_wait3A_330 = tpu.memref_slice %arg6[%dma_wait3A_326, %dma_wait3A_327, %dma_wait3A_328, %dma_wait3A_329] : memref<7x8x8x256xf32, #tpu.memory_space<vmem>> -> memref<1x8x8x256xf32, #tpu.memory_space<vmem>>
    %dma_wait3A_331 = tpu.memref_squeeze %dma_wait3A_330 : memref<1x8x8x256xf32, #tpu.memory_space<vmem>> -> memref<8x8x256xf32, #tpu.memory_space<vmem>>
    %dma_wait3A_332 = arith.constant 0 : i32
    %dma_wait3A_333 = arith.constant 0 : i32
    %dma_wait3A_334 = tpu.memref_slice %arg4[%add3A_180, %dma_wait3A_332, %dma_wait3A_333] : memref<2816x8x256xf32, #tpu.memory_space<hbm>> -> memref<8x8x256xf32, #tpu.memory_space<hbm>>
    %dma_wait3A_335 = arith.constant 0 : i32
    %dma_wait3A_336 = arith.constant 0 : i32
    %dma_wait3A_337 = tpu.memref_slice %arg4[%add3A_180, %dma_wait3A_335, %dma_wait3A_336] : memref<2816x8x256xf32, #tpu.memory_space<hbm>> -> memref<8x8x256xf32, #tpu.memory_space<hbm>>
    %dma_wait3A_338 = arith.constant 0 : i32
    %dma_wait3A_339 = arith.constant 0 : i32
    %dma_wait3A_340 = arith.constant 0 : i32
    %dma_wait3A_341 = tpu.memref_slice %arg6[%dma_wait3A_326, %dma_wait3A_338, %dma_wait3A_339, %dma_wait3A_340] : memref<7x8x8x256xf32, #tpu.memory_space<vmem>> -> memref<1x8x8x256xf32, #tpu.memory_space<vmem>>
    %dma_wait3A_342 = tpu.memref_squeeze %dma_wait3A_341 : memref<1x8x8x256xf32, #tpu.memory_space<vmem>> -> memref<8x8x256xf32, #tpu.memory_space<vmem>>
    tpu.wait_dma2 semaphore(%arg16 : memref<!tpu.dma_semaphore, #tpu.memory_space<semaphore_mem>>) src(%dma_wait3A_342 : memref<8x8x256xf32, #tpu.memory_space<vmem>>) dst(%dma_wait3A_337 : memref<8x8x256xf32, #tpu.memory_space<hbm>>)
    %dma_start3A_343 = arith.constant 9 : i32
    %dma_start3A_344 = arith.constant 2 : i32
    %dma_start3A_345 = arith.constant 0 : i32
    %dma_start3A_346 = arith.constant 0 : i32
    %dma_start3A_347 = arith.constant 0 : i32
    %dma_start3A_348 = tpu.memref_slice %arg6[%dma_start3A_344, %dma_start3A_345, %dma_start3A_346, %dma_start3A_347] : memref<7x8x8x256xf32, #tpu.memory_space<vmem>> -> memref<1x8x8x256xf32, #tpu.memory_space<vmem>>
    %dma_start3A_349 = tpu.memref_squeeze %dma_start3A_348 : memref<1x8x8x256xf32, #tpu.memory_space<vmem>> -> memref<8x8x256xf32, #tpu.memory_space<vmem>>
    %dma_start3A_350 = arith.constant 0 : i32
    %dma_start3A_351 = tpu.memref_slice %arg5[%dma_start3A_343, %dma_start3A_350] : memref<11x8xi32, #tpu.memory_space<vmem>> -> memref<1x8xi32, #tpu.memory_space<vmem>>
    %dma_start3A_352 = tpu.memref_squeeze %dma_start3A_351 : memref<1x8xi32, #tpu.memory_space<vmem>> -> memref<8xi32, #tpu.memory_space<vmem>>
    %dma_start3A_353 = arith.constant 0 : i32
    %dma_start3A_354 = arith.constant 0 : i32
    %dma_start3A_355 = arith.constant 0 : i32
    %dma_start3A_356 = tpu.memref_slice %arg2[%dma_start3A_353, %dma_start3A_354, %dma_start3A_355] : memref<32032x8x256xf32, #tpu.memory_space<hbm>> -> memref<32032x8x256xf32, #tpu.memory_space<hbm>>
    tpu.enqueue_indirect_dma source(%dma_start3A_356 : memref<32032x8x256xf32, #tpu.memory_space<hbm>>) target(%dma_start3A_349 : memref<8x8x256xf32, #tpu.memory_space<vmem>>) offsets(%dma_start3A_352 : memref<8xi32, #tpu.memory_space<vmem>>) semaphore(%arg9 : memref<!tpu.dma_semaphore, #tpu.memory_space<semaphore_mem>>)
    %dma_wait3A_357 = arith.constant 5 : i32
    %dma_wait3A_358 = arith.constant 5 : i32
    %dma_wait3A_359 = arith.constant 0 : i32
    %dma_wait3A_360 = arith.constant 0 : i32
    %dma_wait3A_361 = arith.constant 0 : i32
    %dma_wait3A_362 = tpu.memref_slice %arg6[%dma_wait3A_358, %dma_wait3A_359, %dma_wait3A_360, %dma_wait3A_361] : memref<7x8x8x256xf32, #tpu.memory_space<vmem>> -> memref<1x8x8x256xf32, #tpu.memory_space<vmem>>
    %dma_wait3A_363 = tpu.memref_squeeze %dma_wait3A_362 : memref<1x8x8x256xf32, #tpu.memory_space<vmem>> -> memref<8x8x256xf32, #tpu.memory_space<vmem>>
    %dma_wait3A_364 = arith.constant 0 : i32
    %dma_wait3A_365 = tpu.memref_slice %arg5[%dma_wait3A_357, %dma_wait3A_364] : memref<11x8xi32, #tpu.memory_space<vmem>> -> memref<1x8xi32, #tpu.memory_space<vmem>>
    %dma_wait3A_366 = tpu.memref_squeeze %dma_wait3A_365 : memref<1x8xi32, #tpu.memory_space<vmem>> -> memref<8xi32, #tpu.memory_space<vmem>>
    %dma_wait3A_367 = arith.constant 0 : i32
    %dma_wait3A_368 = arith.constant 0 : i32
    %dma_wait3A_369 = arith.constant 0 : i32
    %dma_wait3A_370 = tpu.memref_slice %arg2[%dma_wait3A_367, %dma_wait3A_368, %dma_wait3A_369] : memref<32032x8x256xf32, #tpu.memory_space<hbm>> -> memref<32032x8x256xf32, #tpu.memory_space<hbm>>
    tpu.wait_indirect_dma semaphore(%arg12 : memref<!tpu.dma_semaphore, #tpu.memory_space<semaphore_mem>>) src(%dma_wait3A_370 : memref<32032x8x256xf32, #tpu.memory_space<hbm>>) dst(%dma_wait3A_363 : memref<8x8x256xf32, #tpu.memory_space<vmem>>)
    %add3A_371 = arith.constant 40 : i32
    %add3A_372 = arith.addi %mul3A_2, %add3A_371 : i32
    %dma_start3A_373 = arith.constant 5 : i32
    %dma_start3A_374 = arith.constant 0 : i32
    %dma_start3A_375 = arith.constant 0 : i32
    %dma_start3A_376 = arith.constant 0 : i32
    %dma_start3A_377 = tpu.memref_slice %arg6[%dma_start3A_373, %dma_start3A_374, %dma_start3A_375, %dma_start3A_376] : memref<7x8x8x256xf32, #tpu.memory_space<vmem>> -> memref<1x8x8x256xf32, #tpu.memory_space<vmem>>
    %dma_start3A_378 = tpu.memref_squeeze %dma_start3A_377 : memref<1x8x8x256xf32, #tpu.memory_space<vmem>> -> memref<8x8x256xf32, #tpu.memory_space<vmem>>
    %dma_start3A_379 = arith.constant 0 : i32
    %dma_start3A_380 = arith.constant 0 : i32
    %dma_start3A_381 = tpu.memref_slice %arg4[%add3A_372, %dma_start3A_379, %dma_start3A_380] : memref<2816x8x256xf32, #tpu.memory_space<hbm>> -> memref<8x8x256xf32, #tpu.memory_space<hbm>>
    %dma_start3A_382 = arith.constant 0 : i32
    %dma_start3A_383 = arith.constant 0 : i32
    %dma_start3A_384 = tpu.memref_slice %arg4[%add3A_372, %dma_start3A_382, %dma_start3A_383] : memref<2816x8x256xf32, #tpu.memory_space<hbm>> -> memref<8x8x256xf32, #tpu.memory_space<hbm>>
    %dma_start3A_385 = arith.constant 0 : i32
    %dma_start3A_386 = arith.constant 0 : i32
    %dma_start3A_387 = arith.constant 0 : i32
    %dma_start3A_388 = tpu.memref_slice %arg6[%dma_start3A_373, %dma_start3A_385, %dma_start3A_386, %dma_start3A_387] : memref<7x8x8x256xf32, #tpu.memory_space<vmem>> -> memref<1x8x8x256xf32, #tpu.memory_space<vmem>>
    %dma_start3A_389 = tpu.memref_squeeze %dma_start3A_388 : memref<1x8x8x256xf32, #tpu.memory_space<vmem>> -> memref<8x8x256xf32, #tpu.memory_space<vmem>>
    tpu.enqueue_dma source(%dma_start3A_389 : memref<8x8x256xf32, #tpu.memory_space<vmem>>) target(%dma_start3A_384 : memref<8x8x256xf32, #tpu.memory_space<hbm>>) target_semaphore(%arg19 : memref<!tpu.dma_semaphore, #tpu.memory_space<semaphore_mem>>)
    %dma_wait3A_390 = arith.constant 3 : i32
    %dma_wait3A_391 = arith.constant 0 : i32
    %dma_wait3A_392 = arith.constant 0 : i32
    %dma_wait3A_393 = arith.constant 0 : i32
    %dma_wait3A_394 = tpu.memref_slice %arg6[%dma_wait3A_390, %dma_wait3A_391, %dma_wait3A_392, %dma_wait3A_393] : memref<7x8x8x256xf32, #tpu.memory_space<vmem>> -> memref<1x8x8x256xf32, #tpu.memory_space<vmem>>
    %dma_wait3A_395 = tpu.memref_squeeze %dma_wait3A_394 : memref<1x8x8x256xf32, #tpu.memory_space<vmem>> -> memref<8x8x256xf32, #tpu.memory_space<vmem>>
    %dma_wait3A_396 = arith.constant 0 : i32
    %dma_wait3A_397 = arith.constant 0 : i32
    %dma_wait3A_398 = tpu.memref_slice %arg4[%add3A_244, %dma_wait3A_396, %dma_wait3A_397] : memref<2816x8x256xf32, #tpu.memory_space<hbm>> -> memref<8x8x256xf32, #tpu.memory_space<hbm>>
    %dma_wait3A_399 = arith.constant 0 : i32
    %dma_wait3A_400 = arith.constant 0 : i32
    %dma_wait3A_401 = tpu.memref_slice %arg4[%add3A_244, %dma_wait3A_399, %dma_wait3A_400] : memref<2816x8x256xf32, #tpu.memory_space<hbm>> -> memref<8x8x256xf32, #tpu.memory_space<hbm>>
    %dma_wait3A_402 = arith.constant 0 : i32
    %dma_wait3A_403 = arith.constant 0 : i32
    %dma_wait3A_404 = arith.constant 0 : i32
    %dma_wait3A_405 = tpu.memref_slice %arg6[%dma_wait3A_390, %dma_wait3A_402, %dma_wait3A_403, %dma_wait3A_404] : memref<7x8x8x256xf32, #tpu.memory_space<vmem>> -> memref<1x8x8x256xf32, #tpu.memory_space<vmem>>
    %dma_wait3A_406 = tpu.memref_squeeze %dma_wait3A_405 : memref<1x8x8x256xf32, #tpu.memory_space<vmem>> -> memref<8x8x256xf32, #tpu.memory_space<vmem>>
    tpu.wait_dma2 semaphore(%arg17 : memref<!tpu.dma_semaphore, #tpu.memory_space<semaphore_mem>>) src(%dma_wait3A_406 : memref<8x8x256xf32, #tpu.memory_space<vmem>>) dst(%dma_wait3A_401 : memref<8x8x256xf32, #tpu.memory_space<hbm>>)
    %dma_start3A_407 = arith.constant 10 : i32
    %dma_start3A_408 = arith.constant 3 : i32
    %dma_start3A_409 = arith.constant 0 : i32
    %dma_start3A_410 = arith.constant 0 : i32
    %dma_start3A_411 = arith.constant 0 : i32
    %dma_start3A_412 = tpu.memref_slice %arg6[%dma_start3A_408, %dma_start3A_409, %dma_start3A_410, %dma_start3A_411] : memref<7x8x8x256xf32, #tpu.memory_space<vmem>> -> memref<1x8x8x256xf32, #tpu.memory_space<vmem>>
    %dma_start3A_413 = tpu.memref_squeeze %dma_start3A_412 : memref<1x8x8x256xf32, #tpu.memory_space<vmem>> -> memref<8x8x256xf32, #tpu.memory_space<vmem>>
    %dma_start3A_414 = arith.constant 0 : i32
    %dma_start3A_415 = tpu.memref_slice %arg5[%dma_start3A_407, %dma_start3A_414] : memref<11x8xi32, #tpu.memory_space<vmem>> -> memref<1x8xi32, #tpu.memory_space<vmem>>
    %dma_start3A_416 = tpu.memref_squeeze %dma_start3A_415 : memref<1x8xi32, #tpu.memory_space<vmem>> -> memref<8xi32, #tpu.memory_space<vmem>>
    %dma_start3A_417 = arith.constant 0 : i32
    %dma_start3A_418 = arith.constant 0 : i32
    %dma_start3A_419 = arith.constant 0 : i32
    %dma_start3A_420 = tpu.memref_slice %arg2[%dma_start3A_417, %dma_start3A_418, %dma_start3A_419] : memref<32032x8x256xf32, #tpu.memory_space<hbm>> -> memref<32032x8x256xf32, #tpu.memory_space<hbm>>
    tpu.enqueue_indirect_dma source(%dma_start3A_420 : memref<32032x8x256xf32, #tpu.memory_space<hbm>>) target(%dma_start3A_413 : memref<8x8x256xf32, #tpu.memory_space<vmem>>) offsets(%dma_start3A_416 : memref<8xi32, #tpu.memory_space<vmem>>) semaphore(%arg10 : memref<!tpu.dma_semaphore, #tpu.memory_space<semaphore_mem>>)
    %dma_wait3A_421 = arith.constant 6 : i32
    %dma_wait3A_422 = arith.constant 6 : i32
    %dma_wait3A_423 = arith.constant 0 : i32
    %dma_wait3A_424 = arith.constant 0 : i32
    %dma_wait3A_425 = arith.constant 0 : i32
    %dma_wait3A_426 = tpu.memref_slice %arg6[%dma_wait3A_422, %dma_wait3A_423, %dma_wait3A_424, %dma_wait3A_425] : memref<7x8x8x256xf32, #tpu.memory_space<vmem>> -> memref<1x8x8x256xf32, #tpu.memory_space<vmem>>
    %dma_wait3A_427 = tpu.memref_squeeze %dma_wait3A_426 : memref<1x8x8x256xf32, #tpu.memory_space<vmem>> -> memref<8x8x256xf32, #tpu.memory_space<vmem>>
    %dma_wait3A_428 = arith.constant 0 : i32
    %dma_wait3A_429 = tpu.memref_slice %arg5[%dma_wait3A_421, %dma_wait3A_428] : memref<11x8xi32, #tpu.memory_space<vmem>> -> memref<1x8xi32, #tpu.memory_space<vmem>>
    %dma_wait3A_430 = tpu.memref_squeeze %dma_wait3A_429 : memref<1x8xi32, #tpu.memory_space<vmem>> -> memref<8xi32, #tpu.memory_space<vmem>>
    %dma_wait3A_431 = arith.constant 0 : i32
    %dma_wait3A_432 = arith.constant 0 : i32
    %dma_wait3A_433 = arith.constant 0 : i32
    %dma_wait3A_434 = tpu.memref_slice %arg2[%dma_wait3A_431, %dma_wait3A_432, %dma_wait3A_433] : memref<32032x8x256xf32, #tpu.memory_space<hbm>> -> memref<32032x8x256xf32, #tpu.memory_space<hbm>>
    tpu.wait_indirect_dma semaphore(%arg13 : memref<!tpu.dma_semaphore, #tpu.memory_space<semaphore_mem>>) src(%dma_wait3A_434 : memref<32032x8x256xf32, #tpu.memory_space<hbm>>) dst(%dma_wait3A_427 : memref<8x8x256xf32, #tpu.memory_space<vmem>>)
    %add3A_435 = arith.constant 48 : i32
    %add3A_436 = arith.addi %mul3A_2, %add3A_435 : i32
    %dma_start3A_437 = arith.constant 6 : i32
    %dma_start3A_438 = arith.constant 0 : i32
    %dma_start3A_439 = arith.constant 0 : i32
    %dma_start3A_440 = arith.constant 0 : i32
    %dma_start3A_441 = tpu.memref_slice %arg6[%dma_start3A_437, %dma_start3A_438, %dma_start3A_439, %dma_start3A_440] : memref<7x8x8x256xf32, #tpu.memory_space<vmem>> -> memref<1x8x8x256xf32, #tpu.memory_space<vmem>>
    %dma_start3A_442 = tpu.memref_squeeze %dma_start3A_441 : memref<1x8x8x256xf32, #tpu.memory_space<vmem>> -> memref<8x8x256xf32, #tpu.memory_space<vmem>>
    %dma_start3A_443 = arith.constant 0 : i32
    %dma_start3A_444 = arith.constant 0 : i32
    %dma_start3A_445 = tpu.memref_slice %arg4[%add3A_436, %dma_start3A_443, %dma_start3A_444] : memref<2816x8x256xf32, #tpu.memory_space<hbm>> -> memref<8x8x256xf32, #tpu.memory_space<hbm>>
    %dma_start3A_446 = arith.constant 0 : i32
    %dma_start3A_447 = arith.constant 0 : i32
    %dma_start3A_448 = tpu.memref_slice %arg4[%add3A_436, %dma_start3A_446, %dma_start3A_447] : memref<2816x8x256xf32, #tpu.memory_space<hbm>> -> memref<8x8x256xf32, #tpu.memory_space<hbm>>
    %dma_start3A_449 = arith.constant 0 : i32
    %dma_start3A_450 = arith.constant 0 : i32
    %dma_start3A_451 = arith.constant 0 : i32
    %dma_start3A_452 = tpu.memref_slice %arg6[%dma_start3A_437, %dma_start3A_449, %dma_start3A_450, %dma_start3A_451] : memref<7x8x8x256xf32, #tpu.memory_space<vmem>> -> memref<1x8x8x256xf32, #tpu.memory_space<vmem>>
    %dma_start3A_453 = tpu.memref_squeeze %dma_start3A_452 : memref<1x8x8x256xf32, #tpu.memory_space<vmem>> -> memref<8x8x256xf32, #tpu.memory_space<vmem>>
    tpu.enqueue_dma source(%dma_start3A_453 : memref<8x8x256xf32, #tpu.memory_space<vmem>>) target(%dma_start3A_448 : memref<8x8x256xf32, #tpu.memory_space<hbm>>) target_semaphore(%arg20 : memref<!tpu.dma_semaphore, #tpu.memory_space<semaphore_mem>>)
    %dma_wait3A_454 = arith.constant 7 : i32
    %dma_wait3A_455 = arith.constant 0 : i32
    %dma_wait3A_456 = arith.constant 0 : i32
    %dma_wait3A_457 = arith.constant 0 : i32
    %dma_wait3A_458 = arith.constant 0 : i32
    %dma_wait3A_459 = tpu.memref_slice %arg6[%dma_wait3A_455, %dma_wait3A_456, %dma_wait3A_457, %dma_wait3A_458] : memref<7x8x8x256xf32, #tpu.memory_space<vmem>> -> memref<1x8x8x256xf32, #tpu.memory_space<vmem>>
    %dma_wait3A_460 = tpu.memref_squeeze %dma_wait3A_459 : memref<1x8x8x256xf32, #tpu.memory_space<vmem>> -> memref<8x8x256xf32, #tpu.memory_space<vmem>>
    %dma_wait3A_461 = arith.constant 0 : i32
    %dma_wait3A_462 = tpu.memref_slice %arg5[%dma_wait3A_454, %dma_wait3A_461] : memref<11x8xi32, #tpu.memory_space<vmem>> -> memref<1x8xi32, #tpu.memory_space<vmem>>
    %dma_wait3A_463 = tpu.memref_squeeze %dma_wait3A_462 : memref<1x8xi32, #tpu.memory_space<vmem>> -> memref<8xi32, #tpu.memory_space<vmem>>
    %dma_wait3A_464 = arith.constant 0 : i32
    %dma_wait3A_465 = arith.constant 0 : i32
    %dma_wait3A_466 = arith.constant 0 : i32
    %dma_wait3A_467 = tpu.memref_slice %arg2[%dma_wait3A_464, %dma_wait3A_465, %dma_wait3A_466] : memref<32032x8x256xf32, #tpu.memory_space<hbm>> -> memref<32032x8x256xf32, #tpu.memory_space<hbm>>
    tpu.wait_indirect_dma semaphore(%arg7 : memref<!tpu.dma_semaphore, #tpu.memory_space<semaphore_mem>>) src(%dma_wait3A_467 : memref<32032x8x256xf32, #tpu.memory_space<hbm>>) dst(%dma_wait3A_460 : memref<8x8x256xf32, #tpu.memory_space<vmem>>)
    %add3A_468 = arith.constant 56 : i32
    %add3A_469 = arith.addi %mul3A_2, %add3A_468 : i32
    %dma_start3A_470 = arith.constant 0 : i32
    %dma_start3A_471 = arith.constant 0 : i32
    %dma_start3A_472 = arith.constant 0 : i32
    %dma_start3A_473 = arith.constant 0 : i32
    %dma_start3A_474 = tpu.memref_slice %arg6[%dma_start3A_470, %dma_start3A_471, %dma_start3A_472, %dma_start3A_473] : memref<7x8x8x256xf32, #tpu.memory_space<vmem>> -> memref<1x8x8x256xf32, #tpu.memory_space<vmem>>
    %dma_start3A_475 = tpu.memref_squeeze %dma_start3A_474 : memref<1x8x8x256xf32, #tpu.memory_space<vmem>> -> memref<8x8x256xf32, #tpu.memory_space<vmem>>
    %dma_start3A_476 = arith.constant 0 : i32
    %dma_start3A_477 = arith.constant 0 : i32
    %dma_start3A_478 = tpu.memref_slice %arg4[%add3A_469, %dma_start3A_476, %dma_start3A_477] : memref<2816x8x256xf32, #tpu.memory_space<hbm>> -> memref<8x8x256xf32, #tpu.memory_space<hbm>>
    %dma_start3A_479 = arith.constant 0 : i32
    %dma_start3A_480 = arith.constant 0 : i32
    %dma_start3A_481 = tpu.memref_slice %arg4[%add3A_469, %dma_start3A_479, %dma_start3A_480] : memref<2816x8x256xf32, #tpu.memory_space<hbm>> -> memref<8x8x256xf32, #tpu.memory_space<hbm>>
    %dma_start3A_482 = arith.constant 0 : i32
    %dma_start3A_483 = arith.constant 0 : i32
    %dma_start3A_484 = arith.constant 0 : i32
    %dma_start3A_485 = tpu.memref_slice %arg6[%dma_start3A_470, %dma_start3A_482, %dma_start3A_483, %dma_start3A_484] : memref<7x8x8x256xf32, #tpu.memory_space<vmem>> -> memref<1x8x8x256xf32, #tpu.memory_space<vmem>>
    %dma_start3A_486 = tpu.memref_squeeze %dma_start3A_485 : memref<1x8x8x256xf32, #tpu.memory_space<vmem>> -> memref<8x8x256xf32, #tpu.memory_space<vmem>>
    tpu.enqueue_dma source(%dma_start3A_486 : memref<8x8x256xf32, #tpu.memory_space<vmem>>) target(%dma_start3A_481 : memref<8x8x256xf32, #tpu.memory_space<hbm>>) target_semaphore(%arg14 : memref<!tpu.dma_semaphore, #tpu.memory_space<semaphore_mem>>)
    %dma_wait3A_487 = arith.constant 8 : i32
    %dma_wait3A_488 = arith.constant 1 : i32
    %dma_wait3A_489 = arith.constant 0 : i32
    %dma_wait3A_490 = arith.constant 0 : i32
    %dma_wait3A_491 = arith.constant 0 : i32
    %dma_wait3A_492 = tpu.memref_slice %arg6[%dma_wait3A_488, %dma_wait3A_489, %dma_wait3A_490, %dma_wait3A_491] : memref<7x8x8x256xf32, #tpu.memory_space<vmem>> -> memref<1x8x8x256xf32, #tpu.memory_space<vmem>>
    %dma_wait3A_493 = tpu.memref_squeeze %dma_wait3A_492 : memref<1x8x8x256xf32, #tpu.memory_space<vmem>> -> memref<8x8x256xf32, #tpu.memory_space<vmem>>
    %dma_wait3A_494 = arith.constant 0 : i32
    %dma_wait3A_495 = tpu.memref_slice %arg5[%dma_wait3A_487, %dma_wait3A_494] : memref<11x8xi32, #tpu.memory_space<vmem>> -> memref<1x8xi32, #tpu.memory_space<vmem>>
    %dma_wait3A_496 = tpu.memref_squeeze %dma_wait3A_495 : memref<1x8xi32, #tpu.memory_space<vmem>> -> memref<8xi32, #tpu.memory_space<vmem>>
    %dma_wait3A_497 = arith.constant 0 : i32
    %dma_wait3A_498 = arith.constant 0 : i32
    %dma_wait3A_499 = arith.constant 0 : i32
    %dma_wait3A_500 = tpu.memref_slice %arg2[%dma_wait3A_497, %dma_wait3A_498, %dma_wait3A_499] : memref<32032x8x256xf32, #tpu.memory_space<hbm>> -> memref<32032x8x256xf32, #tpu.memory_space<hbm>>
    tpu.wait_indirect_dma semaphore(%arg8 : memref<!tpu.dma_semaphore, #tpu.memory_space<semaphore_mem>>) src(%dma_wait3A_500 : memref<32032x8x256xf32, #tpu.memory_space<hbm>>) dst(%dma_wait3A_493 : memref<8x8x256xf32, #tpu.memory_space<vmem>>)
    %add3A_501 = arith.constant 64 : i32
    %add3A_502 = arith.addi %mul3A_2, %add3A_501 : i32
    %dma_start3A_503 = arith.constant 1 : i32
    %dma_start3A_504 = arith.constant 0 : i32
    %dma_start3A_505 = arith.constant 0 : i32
    %dma_start3A_506 = arith.constant 0 : i32
    %dma_start3A_507 = tpu.memref_slice %arg6[%dma_start3A_503, %dma_start3A_504, %dma_start3A_505, %dma_start3A_506] : memref<7x8x8x256xf32, #tpu.memory_space<vmem>> -> memref<1x8x8x256xf32, #tpu.memory_space<vmem>>
    %dma_start3A_508 = tpu.memref_squeeze %dma_start3A_507 : memref<1x8x8x256xf32, #tpu.memory_space<vmem>> -> memref<8x8x256xf32, #tpu.memory_space<vmem>>
    %dma_start3A_509 = arith.constant 0 : i32
    %dma_start3A_510 = arith.constant 0 : i32
    %dma_start3A_511 = tpu.memref_slice %arg4[%add3A_502, %dma_start3A_509, %dma_start3A_510] : memref<2816x8x256xf32, #tpu.memory_space<hbm>> -> memref<8x8x256xf32, #tpu.memory_space<hbm>>
    %dma_start3A_512 = arith.constant 0 : i32
    %dma_start3A_513 = arith.constant 0 : i32
    %dma_start3A_514 = tpu.memref_slice %arg4[%add3A_502, %dma_start3A_512, %dma_start3A_513] : memref<2816x8x256xf32, #tpu.memory_space<hbm>> -> memref<8x8x256xf32, #tpu.memory_space<hbm>>
    %dma_start3A_515 = arith.constant 0 : i32
    %dma_start3A_516 = arith.constant 0 : i32
    %dma_start3A_517 = arith.constant 0 : i32
    %dma_start3A_518 = tpu.memref_slice %arg6[%dma_start3A_503, %dma_start3A_515, %dma_start3A_516, %dma_start3A_517] : memref<7x8x8x256xf32, #tpu.memory_space<vmem>> -> memref<1x8x8x256xf32, #tpu.memory_space<vmem>>
    %dma_start3A_519 = tpu.memref_squeeze %dma_start3A_518 : memref<1x8x8x256xf32, #tpu.memory_space<vmem>> -> memref<8x8x256xf32, #tpu.memory_space<vmem>>
    tpu.enqueue_dma source(%dma_start3A_519 : memref<8x8x256xf32, #tpu.memory_space<vmem>>) target(%dma_start3A_514 : memref<8x8x256xf32, #tpu.memory_space<hbm>>) target_semaphore(%arg15 : memref<!tpu.dma_semaphore, #tpu.memory_space<semaphore_mem>>)
    %dma_wait3A_520 = arith.constant 9 : i32
    %dma_wait3A_521 = arith.constant 2 : i32
    %dma_wait3A_522 = arith.constant 0 : i32
    %dma_wait3A_523 = arith.constant 0 : i32
    %dma_wait3A_524 = arith.constant 0 : i32
    %dma_wait3A_525 = tpu.memref_slice %arg6[%dma_wait3A_521, %dma_wait3A_522, %dma_wait3A_523, %dma_wait3A_524] : memref<7x8x8x256xf32, #tpu.memory_space<vmem>> -> memref<1x8x8x256xf32, #tpu.memory_space<vmem>>
    %dma_wait3A_526 = tpu.memref_squeeze %dma_wait3A_525 : memref<1x8x8x256xf32, #tpu.memory_space<vmem>> -> memref<8x8x256xf32, #tpu.memory_space<vmem>>
    %dma_wait3A_527 = arith.constant 0 : i32
    %dma_wait3A_528 = tpu.memref_slice %arg5[%dma_wait3A_520, %dma_wait3A_527] : memref<11x8xi32, #tpu.memory_space<vmem>> -> memref<1x8xi32, #tpu.memory_space<vmem>>
    %dma_wait3A_529 = tpu.memref_squeeze %dma_wait3A_528 : memref<1x8xi32, #tpu.memory_space<vmem>> -> memref<8xi32, #tpu.memory_space<vmem>>
    %dma_wait3A_530 = arith.constant 0 : i32
    %dma_wait3A_531 = arith.constant 0 : i32
    %dma_wait3A_532 = arith.constant 0 : i32
    %dma_wait3A_533 = tpu.memref_slice %arg2[%dma_wait3A_530, %dma_wait3A_531, %dma_wait3A_532] : memref<32032x8x256xf32, #tpu.memory_space<hbm>> -> memref<32032x8x256xf32, #tpu.memory_space<hbm>>
    tpu.wait_indirect_dma semaphore(%arg9 : memref<!tpu.dma_semaphore, #tpu.memory_space<semaphore_mem>>) src(%dma_wait3A_533 : memref<32032x8x256xf32, #tpu.memory_space<hbm>>) dst(%dma_wait3A_526 : memref<8x8x256xf32, #tpu.memory_space<vmem>>)
    %add3A_534 = arith.constant 72 : i32
    %add3A_535 = arith.addi %mul3A_2, %add3A_534 : i32
    %dma_start3A_536 = arith.constant 2 : i32
    %dma_start3A_537 = arith.constant 0 : i32
    %dma_start3A_538 = arith.constant 0 : i32
    %dma_start3A_539 = arith.constant 0 : i32
    %dma_start3A_540 = tpu.memref_slice %arg6[%dma_start3A_536, %dma_start3A_537, %dma_start3A_538, %dma_start3A_539] : memref<7x8x8x256xf32, #tpu.memory_space<vmem>> -> memref<1x8x8x256xf32, #tpu.memory_space<vmem>>
    %dma_start3A_541 = tpu.memref_squeeze %dma_start3A_540 : memref<1x8x8x256xf32, #tpu.memory_space<vmem>> -> memref<8x8x256xf32, #tpu.memory_space<vmem>>
    %dma_start3A_542 = arith.constant 0 : i32
    %dma_start3A_543 = arith.constant 0 : i32
    %dma_start3A_544 = tpu.memref_slice %arg4[%add3A_535, %dma_start3A_542, %dma_start3A_543] : memref<2816x8x256xf32, #tpu.memory_space<hbm>> -> memref<8x8x256xf32, #tpu.memory_space<hbm>>
    %dma_start3A_545 = arith.constant 0 : i32
    %dma_start3A_546 = arith.constant 0 : i32
    %dma_start3A_547 = tpu.memref_slice %arg4[%add3A_535, %dma_start3A_545, %dma_start3A_546] : memref<2816x8x256xf32, #tpu.memory_space<hbm>> -> memref<8x8x256xf32, #tpu.memory_space<hbm>>
    %dma_start3A_548 = arith.constant 0 : i32
    %dma_start3A_549 = arith.constant 0 : i32
    %dma_start3A_550 = arith.constant 0 : i32
    %dma_start3A_551 = tpu.memref_slice %arg6[%dma_start3A_536, %dma_start3A_548, %dma_start3A_549, %dma_start3A_550] : memref<7x8x8x256xf32, #tpu.memory_space<vmem>> -> memref<1x8x8x256xf32, #tpu.memory_space<vmem>>
    %dma_start3A_552 = tpu.memref_squeeze %dma_start3A_551 : memref<1x8x8x256xf32, #tpu.memory_space<vmem>> -> memref<8x8x256xf32, #tpu.memory_space<vmem>>
    tpu.enqueue_dma source(%dma_start3A_552 : memref<8x8x256xf32, #tpu.memory_space<vmem>>) target(%dma_start3A_547 : memref<8x8x256xf32, #tpu.memory_space<hbm>>) target_semaphore(%arg16 : memref<!tpu.dma_semaphore, #tpu.memory_space<semaphore_mem>>)
    %dma_wait3A_553 = arith.constant 10 : i32
    %dma_wait3A_554 = arith.constant 3 : i32
    %dma_wait3A_555 = arith.constant 0 : i32
    %dma_wait3A_556 = arith.constant 0 : i32
    %dma_wait3A_557 = arith.constant 0 : i32
    %dma_wait3A_558 = tpu.memref_slice %arg6[%dma_wait3A_554, %dma_wait3A_555, %dma_wait3A_556, %dma_wait3A_557] : memref<7x8x8x256xf32, #tpu.memory_space<vmem>> -> memref<1x8x8x256xf32, #tpu.memory_space<vmem>>
    %dma_wait3A_559 = tpu.memref_squeeze %dma_wait3A_558 : memref<1x8x8x256xf32, #tpu.memory_space<vmem>> -> memref<8x8x256xf32, #tpu.memory_space<vmem>>
    %dma_wait3A_560 = arith.constant 0 : i32
    %dma_wait3A_561 = tpu.memref_slice %arg5[%dma_wait3A_553, %dma_wait3A_560] : memref<11x8xi32, #tpu.memory_space<vmem>> -> memref<1x8xi32, #tpu.memory_space<vmem>>
    %dma_wait3A_562 = tpu.memref_squeeze %dma_wait3A_561 : memref<1x8xi32, #tpu.memory_space<vmem>> -> memref<8xi32, #tpu.memory_space<vmem>>
    %dma_wait3A_563 = arith.constant 0 : i32
    %dma_wait3A_564 = arith.constant 0 : i32
    %dma_wait3A_565 = arith.constant 0 : i32
    %dma_wait3A_566 = tpu.memref_slice %arg2[%dma_wait3A_563, %dma_wait3A_564, %dma_wait3A_565] : memref<32032x8x256xf32, #tpu.memory_space<hbm>> -> memref<32032x8x256xf32, #tpu.memory_space<hbm>>
    tpu.wait_indirect_dma semaphore(%arg10 : memref<!tpu.dma_semaphore, #tpu.memory_space<semaphore_mem>>) src(%dma_wait3A_566 : memref<32032x8x256xf32, #tpu.memory_space<hbm>>) dst(%dma_wait3A_559 : memref<8x8x256xf32, #tpu.memory_space<vmem>>)
    %add3A_567 = arith.constant 80 : i32
    %add3A_568 = arith.addi %mul3A_2, %add3A_567 : i32
    %dma_start3A_569 = arith.constant 3 : i32
    %dma_start3A_570 = arith.constant 0 : i32
    %dma_start3A_571 = arith.constant 0 : i32
    %dma_start3A_572 = arith.constant 0 : i32
    %dma_start3A_573 = tpu.memref_slice %arg6[%dma_start3A_569, %dma_start3A_570, %dma_start3A_571, %dma_start3A_572] : memref<7x8x8x256xf32, #tpu.memory_space<vmem>> -> memref<1x8x8x256xf32, #tpu.memory_space<vmem>>
    %dma_start3A_574 = tpu.memref_squeeze %dma_start3A_573 : memref<1x8x8x256xf32, #tpu.memory_space<vmem>> -> memref<8x8x256xf32, #tpu.memory_space<vmem>>
    %dma_start3A_575 = arith.constant 0 : i32
    %dma_start3A_576 = arith.constant 0 : i32
    %dma_start3A_577 = tpu.memref_slice %arg4[%add3A_568, %dma_start3A_575, %dma_start3A_576] : memref<2816x8x256xf32, #tpu.memory_space<hbm>> -> memref<8x8x256xf32, #tpu.memory_space<hbm>>
    %dma_start3A_578 = arith.constant 0 : i32
    %dma_start3A_579 = arith.constant 0 : i32
    %dma_start3A_580 = tpu.memref_slice %arg4[%add3A_568, %dma_start3A_578, %dma_start3A_579] : memref<2816x8x256xf32, #tpu.memory_space<hbm>> -> memref<8x8x256xf32, #tpu.memory_space<hbm>>
    %dma_start3A_581 = arith.constant 0 : i32
    %dma_start3A_582 = arith.constant 0 : i32
    %dma_start3A_583 = arith.constant 0 : i32
    %dma_start3A_584 = tpu.memref_slice %arg6[%dma_start3A_569, %dma_start3A_581, %dma_start3A_582, %dma_start3A_583] : memref<7x8x8x256xf32, #tpu.memory_space<vmem>> -> memref<1x8x8x256xf32, #tpu.memory_space<vmem>>
    %dma_start3A_585 = tpu.memref_squeeze %dma_start3A_584 : memref<1x8x8x256xf32, #tpu.memory_space<vmem>> -> memref<8x8x256xf32, #tpu.memory_space<vmem>>
    tpu.enqueue_dma source(%dma_start3A_585 : memref<8x8x256xf32, #tpu.memory_space<vmem>>) target(%dma_start3A_580 : memref<8x8x256xf32, #tpu.memory_space<hbm>>) target_semaphore(%arg17 : memref<!tpu.dma_semaphore, #tpu.memory_space<semaphore_mem>>)
    %dma_wait3A_586 = arith.constant 0 : i32
    %dma_wait3A_587 = arith.constant 0 : i32
    %dma_wait3A_588 = arith.constant 0 : i32
    %dma_wait3A_589 = arith.constant 0 : i32
    %dma_wait3A_590 = tpu.memref_slice %arg6[%dma_wait3A_586, %dma_wait3A_587, %dma_wait3A_588, %dma_wait3A_589] : memref<7x8x8x256xf32, #tpu.memory_space<vmem>> -> memref<1x8x8x256xf32, #tpu.memory_space<vmem>>
    %dma_wait3A_591 = tpu.memref_squeeze %dma_wait3A_590 : memref<1x8x8x256xf32, #tpu.memory_space<vmem>> -> memref<8x8x256xf32, #tpu.memory_space<vmem>>
    %dma_wait3A_592 = arith.constant 0 : i32
    %dma_wait3A_593 = arith.constant 0 : i32
    %dma_wait3A_594 = tpu.memref_slice %arg4[%add3A_469, %dma_wait3A_592, %dma_wait3A_593] : memref<2816x8x256xf32, #tpu.memory_space<hbm>> -> memref<8x8x256xf32, #tpu.memory_space<hbm>>
    %dma_wait3A_595 = arith.constant 0 : i32
    %dma_wait3A_596 = arith.constant 0 : i32
    %dma_wait3A_597 = tpu.memref_slice %arg4[%add3A_469, %dma_wait3A_595, %dma_wait3A_596] : memref<2816x8x256xf32, #tpu.memory_space<hbm>> -> memref<8x8x256xf32, #tpu.memory_space<hbm>>
    %dma_wait3A_598 = arith.constant 0 : i32
    %dma_wait3A_599 = arith.constant 0 : i32
    %dma_wait3A_600 = arith.constant 0 : i32
    %dma_wait3A_601 = tpu.memref_slice %arg6[%dma_wait3A_586, %dma_wait3A_598, %dma_wait3A_599, %dma_wait3A_600] : memref<7x8x8x256xf32, #tpu.memory_space<vmem>> -> memref<1x8x8x256xf32, #tpu.memory_space<vmem>>
    %dma_wait3A_602 = tpu.memref_squeeze %dma_wait3A_601 : memref<1x8x8x256xf32, #tpu.memory_space<vmem>> -> memref<8x8x256xf32, #tpu.memory_space<vmem>>
    tpu.wait_dma2 semaphore(%arg14 : memref<!tpu.dma_semaphore, #tpu.memory_space<semaphore_mem>>) src(%dma_wait3A_602 : memref<8x8x256xf32, #tpu.memory_space<vmem>>) dst(%dma_wait3A_597 : memref<8x8x256xf32, #tpu.memory_space<hbm>>)
    %dma_wait3A_603 = arith.constant 1 : i32
    %dma_wait3A_604 = arith.constant 0 : i32
    %dma_wait3A_605 = arith.constant 0 : i32
    %dma_wait3A_606 = arith.constant 0 : i32
    %dma_wait3A_607 = tpu.memref_slice %arg6[%dma_wait3A_603, %dma_wait3A_604, %dma_wait3A_605, %dma_wait3A_606] : memref<7x8x8x256xf32, #tpu.memory_space<vmem>> -> memref<1x8x8x256xf32, #tpu.memory_space<vmem>>
    %dma_wait3A_608 = tpu.memref_squeeze %dma_wait3A_607 : memref<1x8x8x256xf32, #tpu.memory_space<vmem>> -> memref<8x8x256xf32, #tpu.memory_space<vmem>>
    %dma_wait3A_609 = arith.constant 0 : i32
    %dma_wait3A_610 = arith.constant 0 : i32
    %dma_wait3A_611 = tpu.memref_slice %arg4[%add3A_502, %dma_wait3A_609, %dma_wait3A_610] : memref<2816x8x256xf32, #tpu.memory_space<hbm>> -> memref<8x8x256xf32, #tpu.memory_space<hbm>>
    %dma_wait3A_612 = arith.constant 0 : i32
    %dma_wait3A_613 = arith.constant 0 : i32
    %dma_wait3A_614 = tpu.memref_slice %arg4[%add3A_502, %dma_wait3A_612, %dma_wait3A_613] : memref<2816x8x256xf32, #tpu.memory_space<hbm>> -> memref<8x8x256xf32, #tpu.memory_space<hbm>>
    %dma_wait3A_615 = arith.constant 0 : i32
    %dma_wait3A_616 = arith.constant 0 : i32
    %dma_wait3A_617 = arith.constant 0 : i32
    %dma_wait3A_618 = tpu.memref_slice %arg6[%dma_wait3A_603, %dma_wait3A_615, %dma_wait3A_616, %dma_wait3A_617] : memref<7x8x8x256xf32, #tpu.memory_space<vmem>> -> memref<1x8x8x256xf32, #tpu.memory_space<vmem>>
    %dma_wait3A_619 = tpu.memref_squeeze %dma_wait3A_618 : memref<1x8x8x256xf32, #tpu.memory_space<vmem>> -> memref<8x8x256xf32, #tpu.memory_space<vmem>>
    tpu.wait_dma2 semaphore(%arg15 : memref<!tpu.dma_semaphore, #tpu.memory_space<semaphore_mem>>) src(%dma_wait3A_619 : memref<8x8x256xf32, #tpu.memory_space<vmem>>) dst(%dma_wait3A_614 : memref<8x8x256xf32, #tpu.memory_space<hbm>>)
    %dma_wait3A_620 = arith.constant 2 : i32
    %dma_wait3A_621 = arith.constant 0 : i32
    %dma_wait3A_622 = arith.constant 0 : i32
    %dma_wait3A_623 = arith.constant 0 : i32
    %dma_wait3A_624 = tpu.memref_slice %arg6[%dma_wait3A_620, %dma_wait3A_621, %dma_wait3A_622, %dma_wait3A_623] : memref<7x8x8x256xf32, #tpu.memory_space<vmem>> -> memref<1x8x8x256xf32, #tpu.memory_space<vmem>>
    %dma_wait3A_625 = tpu.memref_squeeze %dma_wait3A_624 : memref<1x8x8x256xf32, #tpu.memory_space<vmem>> -> memref<8x8x256xf32, #tpu.memory_space<vmem>>
    %dma_wait3A_626 = arith.constant 0 : i32
    %dma_wait3A_627 = arith.constant 0 : i32
    %dma_wait3A_628 = tpu.memref_slice %arg4[%add3A_535, %dma_wait3A_626, %dma_wait3A_627] : memref<2816x8x256xf32, #tpu.memory_space<hbm>> -> memref<8x8x256xf32, #tpu.memory_space<hbm>>
    %dma_wait3A_629 = arith.constant 0 : i32
    %dma_wait3A_630 = arith.constant 0 : i32
    %dma_wait3A_631 = tpu.memref_slice %arg4[%add3A_535, %dma_wait3A_629, %dma_wait3A_630] : memref<2816x8x256xf32, #tpu.memory_space<hbm>> -> memref<8x8x256xf32, #tpu.memory_space<hbm>>
    %dma_wait3A_632 = arith.constant 0 : i32
    %dma_wait3A_633 = arith.constant 0 : i32
    %dma_wait3A_634 = arith.constant 0 : i32
    %dma_wait3A_635 = tpu.memref_slice %arg6[%dma_wait3A_620, %dma_wait3A_632, %dma_wait3A_633, %dma_wait3A_634] : memref<7x8x8x256xf32, #tpu.memory_space<vmem>> -> memref<1x8x8x256xf32, #tpu.memory_space<vmem>>
    %dma_wait3A_636 = tpu.memref_squeeze %dma_wait3A_635 : memref<1x8x8x256xf32, #tpu.memory_space<vmem>> -> memref<8x8x256xf32, #tpu.memory_space<vmem>>
    tpu.wait_dma2 semaphore(%arg16 : memref<!tpu.dma_semaphore, #tpu.memory_space<semaphore_mem>>) src(%dma_wait3A_636 : memref<8x8x256xf32, #tpu.memory_space<vmem>>) dst(%dma_wait3A_631 : memref<8x8x256xf32, #tpu.memory_space<hbm>>)
    %dma_wait3A_637 = arith.constant 3 : i32
    %dma_wait3A_638 = arith.constant 0 : i32
    %dma_wait3A_639 = arith.constant 0 : i32
    %dma_wait3A_640 = arith.constant 0 : i32
    %dma_wait3A_641 = tpu.memref_slice %arg6[%dma_wait3A_637, %dma_wait3A_638, %dma_wait3A_639, %dma_wait3A_640] : memref<7x8x8x256xf32, #tpu.memory_space<vmem>> -> memref<1x8x8x256xf32, #tpu.memory_space<vmem>>
    %dma_wait3A_642 = tpu.memref_squeeze %dma_wait3A_641 : memref<1x8x8x256xf32, #tpu.memory_space<vmem>> -> memref<8x8x256xf32, #tpu.memory_space<vmem>>
    %dma_wait3A_643 = arith.constant 0 : i32
    %dma_wait3A_644 = arith.constant 0 : i32
    %dma_wait3A_645 = tpu.memref_slice %arg4[%add3A_568, %dma_wait3A_643, %dma_wait3A_644] : memref<2816x8x256xf32, #tpu.memory_space<hbm>> -> memref<8x8x256xf32, #tpu.memory_space<hbm>>
    %dma_wait3A_646 = arith.constant 0 : i32
    %dma_wait3A_647 = arith.constant 0 : i32
    %dma_wait3A_648 = tpu.memref_slice %arg4[%add3A_568, %dma_wait3A_646, %dma_wait3A_647] : memref<2816x8x256xf32, #tpu.memory_space<hbm>> -> memref<8x8x256xf32, #tpu.memory_space<hbm>>
    %dma_wait3A_649 = arith.constant 0 : i32
    %dma_wait3A_650 = arith.constant 0 : i32
    %dma_wait3A_651 = arith.constant 0 : i32
    %dma_wait3A_652 = tpu.memref_slice %arg6[%dma_wait3A_637, %dma_wait3A_649, %dma_wait3A_650, %dma_wait3A_651] : memref<7x8x8x256xf32, #tpu.memory_space<vmem>> -> memref<1x8x8x256xf32, #tpu.memory_space<vmem>>
    %dma_wait3A_653 = tpu.memref_squeeze %dma_wait3A_652 : memref<1x8x8x256xf32, #tpu.memory_space<vmem>> -> memref<8x8x256xf32, #tpu.memory_space<vmem>>
    tpu.wait_dma2 semaphore(%arg17 : memref<!tpu.dma_semaphore, #tpu.memory_space<semaphore_mem>>) src(%dma_wait3A_653 : memref<8x8x256xf32, #tpu.memory_space<vmem>>) dst(%dma_wait3A_648 : memref<8x8x256xf32, #tpu.memory_space<hbm>>)
    %dma_wait3A_654 = arith.constant 4 : i32
    %dma_wait3A_655 = arith.constant 0 : i32
    %dma_wait3A_656 = arith.constant 0 : i32
    %dma_wait3A_657 = arith.constant 0 : i32
    %dma_wait3A_658 = tpu.memref_slice %arg6[%dma_wait3A_654, %dma_wait3A_655, %dma_wait3A_656, %dma_wait3A_657] : memref<7x8x8x256xf32, #tpu.memory_space<vmem>> -> memref<1x8x8x256xf32, #tpu.memory_space<vmem>>
    %dma_wait3A_659 = tpu.memref_squeeze %dma_wait3A_658 : memref<1x8x8x256xf32, #tpu.memory_space<vmem>> -> memref<8x8x256xf32, #tpu.memory_space<vmem>>
    %dma_wait3A_660 = arith.constant 0 : i32
    %dma_wait3A_661 = arith.constant 0 : i32
    %dma_wait3A_662 = tpu.memref_slice %arg4[%add3A_308, %dma_wait3A_660, %dma_wait3A_661] : memref<2816x8x256xf32, #tpu.memory_space<hbm>> -> memref<8x8x256xf32, #tpu.memory_space<hbm>>
    %dma_wait3A_663 = arith.constant 0 : i32
    %dma_wait3A_664 = arith.constant 0 : i32
    %dma_wait3A_665 = tpu.memref_slice %arg4[%add3A_308, %dma_wait3A_663, %dma_wait3A_664] : memref<2816x8x256xf32, #tpu.memory_space<hbm>> -> memref<8x8x256xf32, #tpu.memory_space<hbm>>
    %dma_wait3A_666 = arith.constant 0 : i32
    %dma_wait3A_667 = arith.constant 0 : i32
    %dma_wait3A_668 = arith.constant 0 : i32
    %dma_wait3A_669 = tpu.memref_slice %arg6[%dma_wait3A_654, %dma_wait3A_666, %dma_wait3A_667, %dma_wait3A_668] : memref<7x8x8x256xf32, #tpu.memory_space<vmem>> -> memref<1x8x8x256xf32, #tpu.memory_space<vmem>>
    %dma_wait3A_670 = tpu.memref_squeeze %dma_wait3A_669 : memref<1x8x8x256xf32, #tpu.memory_space<vmem>> -> memref<8x8x256xf32, #tpu.memory_space<vmem>>
    tpu.wait_dma2 semaphore(%arg18 : memref<!tpu.dma_semaphore, #tpu.memory_space<semaphore_mem>>) src(%dma_wait3A_670 : memref<8x8x256xf32, #tpu.memory_space<vmem>>) dst(%dma_wait3A_665 : memref<8x8x256xf32, #tpu.memory_space<hbm>>)
    %dma_wait3A_671 = arith.constant 5 : i32
    %dma_wait3A_672 = arith.constant 0 : i32
    %dma_wait3A_673 = arith.constant 0 : i32
    %dma_wait3A_674 = arith.constant 0 : i32
    %dma_wait3A_675 = tpu.memref_slice %arg6[%dma_wait3A_671, %dma_wait3A_672, %dma_wait3A_673, %dma_wait3A_674] : memref<7x8x8x256xf32, #tpu.memory_space<vmem>> -> memref<1x8x8x256xf32, #tpu.memory_space<vmem>>
    %dma_wait3A_676 = tpu.memref_squeeze %dma_wait3A_675 : memref<1x8x8x256xf32, #tpu.memory_space<vmem>> -> memref<8x8x256xf32, #tpu.memory_space<vmem>>
    %dma_wait3A_677 = arith.constant 0 : i32
    %dma_wait3A_678 = arith.constant 0 : i32
    %dma_wait3A_679 = tpu.memref_slice %arg4[%add3A_372, %dma_wait3A_677, %dma_wait3A_678] : memref<2816x8x256xf32, #tpu.memory_space<hbm>> -> memref<8x8x256xf32, #tpu.memory_space<hbm>>
    %dma_wait3A_680 = arith.constant 0 : i32
    %dma_wait3A_681 = arith.constant 0 : i32
    %dma_wait3A_682 = tpu.memref_slice %arg4[%add3A_372, %dma_wait3A_680, %dma_wait3A_681] : memref<2816x8x256xf32, #tpu.memory_space<hbm>> -> memref<8x8x256xf32, #tpu.memory_space<hbm>>
    %dma_wait3A_683 = arith.constant 0 : i32
    %dma_wait3A_684 = arith.constant 0 : i32
    %dma_wait3A_685 = arith.constant 0 : i32
    %dma_wait3A_686 = tpu.memref_slice %arg6[%dma_wait3A_671, %dma_wait3A_683, %dma_wait3A_684, %dma_wait3A_685] : memref<7x8x8x256xf32, #tpu.memory_space<vmem>> -> memref<1x8x8x256xf32, #tpu.memory_space<vmem>>
    %dma_wait3A_687 = tpu.memref_squeeze %dma_wait3A_686 : memref<1x8x8x256xf32, #tpu.memory_space<vmem>> -> memref<8x8x256xf32, #tpu.memory_space<vmem>>
    tpu.wait_dma2 semaphore(%arg19 : memref<!tpu.dma_semaphore, #tpu.memory_space<semaphore_mem>>) src(%dma_wait3A_687 : memref<8x8x256xf32, #tpu.memory_space<vmem>>) dst(%dma_wait3A_682 : memref<8x8x256xf32, #tpu.memory_space<hbm>>)
    %dma_wait3A_688 = arith.constant 6 : i32
    %dma_wait3A_689 = arith.constant 0 : i32
    %dma_wait3A_690 = arith.constant 0 : i32
    %dma_wait3A_691 = arith.constant 0 : i32
    %dma_wait3A_692 = tpu.memref_slice %arg6[%dma_wait3A_688, %dma_wait3A_689, %dma_wait3A_690, %dma_wait3A_691] : memref<7x8x8x256xf32, #tpu.memory_space<vmem>> -> memref<1x8x8x256xf32, #tpu.memory_space<vmem>>
    %dma_wait3A_693 = tpu.memref_squeeze %dma_wait3A_692 : memref<1x8x8x256xf32, #tpu.memory_space<vmem>> -> memref<8x8x256xf32, #tpu.memory_space<vmem>>
    %dma_wait3A_694 = arith.constant 0 : i32
    %dma_wait3A_695 = arith.constant 0 : i32
    %dma_wait3A_696 = tpu.memref_slice %arg4[%add3A_436, %dma_wait3A_694, %dma_wait3A_695] : memref<2816x8x256xf32, #tpu.memory_space<hbm>> -> memref<8x8x256xf32, #tpu.memory_space<hbm>>
    %dma_wait3A_697 = arith.constant 0 : i32
    %dma_wait3A_698 = arith.constant 0 : i32
    %dma_wait3A_699 = tpu.memref_slice %arg4[%add3A_436, %dma_wait3A_697, %dma_wait3A_698] : memref<2816x8x256xf32, #tpu.memory_space<hbm>> -> memref<8x8x256xf32, #tpu.memory_space<hbm>>
    %dma_wait3A_700 = arith.constant 0 : i32
    %dma_wait3A_701 = arith.constant 0 : i32
    %dma_wait3A_702 = arith.constant 0 : i32
    %dma_wait3A_703 = tpu.memref_slice %arg6[%dma_wait3A_688, %dma_wait3A_700, %dma_wait3A_701, %dma_wait3A_702] : memref<7x8x8x256xf32, #tpu.memory_space<vmem>> -> memref<1x8x8x256xf32, #tpu.memory_space<vmem>>
    %dma_wait3A_704 = tpu.memref_squeeze %dma_wait3A_703 : memref<1x8x8x256xf32, #tpu.memory_space<vmem>> -> memref<8x8x256xf32, #tpu.memory_space<vmem>>
    tpu.wait_dma2 semaphore(%arg20 : memref<!tpu.dma_semaphore, #tpu.memory_space<semaphore_mem>>) src(%dma_wait3A_704 : memref<8x8x256xf32, #tpu.memory_space<vmem>>) dst(%dma_wait3A_699 : memref<8x8x256xf32, #tpu.memory_space<hbm>>)
    return
  }
}

</mosaic_0001>

<sc_bundles>
// kernel: kernel.3.cloned.1.call-start
scs
__scs_entry_jumppad:
0x0: {  	(pc) =	sbr.rel $0x88, $3  }
0x1: {  	(tag) =	ssettag $0x0;
	lr =	simm.s32 $0x1  }
0x2: {  	[smem:$0x3F9E] =	sst lr;
	_ =	strace $0xD0000000  }
0x3: {  	_ = 	snop  }
0x4: {  	_ = 	snop  }
0x5: {  	_ = 	snop  }
0x6: {  	_ = 	snop  }
0x7: {  	_ = 	snop  }
__scs_overlays_trampoline_lowered:
0x8: {  	[smem:$0x3FAD] =	sst s0  }
0x9: {  	[smem:$0x3FAE] =	sst s1  }
0xa: {  	[smem:$0x3FAF] =	sst s2  }
0xb: {  	[smem:$0x3FB0] =	sst s3  }
0xc: {  	[smem:$0x3FB1] =	sst s4  }
0xd: {  	[smem:$0x3FB2] =	sst s5  }
0xe: {  	[smem:$0x3FB3] =	sst s6  }
0xf: {  	[smem:$0x3FB4] =	sst s7  }
0x10: {  	[smem:$0x3FB5] =	sst s8  }
0x11: {  	[smem:$0x3FB6] =	sst s9;
	s0 =	simm.s32 @!p0 $0x0  }
0x12: {  	s1 =	sld [smem:$0x3F9C];
	s0 =	simm.s32 @p0 $0x1  }
0x13: {  	[smem:$0x3FB7] =	sst s0;
	s0 =	simm.s32 @!p1 $0x0  }
0x14: {  	s2 =	sld [smem:$0x3F9B];
	s0 =	simm.s32 @p1 $0x1  }
0x15: {  	[smem:$0x3FB8] =	sst s0;
	s0 =	simm.s32 @!p2 $0x0  }
0x16: {  	s3 =	sld [smem:$0x3FDB];
	s0 =	simm.s32 @p2 $0x1  }
0x17: {  	s4 =	simm.s32 $0x1BF5;
	[smem:$0x3FBA] =	sst s0  }
0x18: {  	s0 =	sld [smem:$0x3F9D];
	_ =	swait.ge [sflag:s4], $0x0  }
0x19: {  	s7 =	sld [smem:$0x3F9E]  }
0x1a: {  	s8 =	sadd.s32 $0xFFFFE003, lr  }
0x1b: {  	s9 =	sadd.s32 $0xFFFFFEF7, lr;
	s5 =	simm.s32 $0xFFFFFFFF;
	p2 =	slt.u32 s8, $0xFFFFF086  }
0x1c: {  	p1 =	slt.u32 s9, $0xF7A;
	s5 =	simm.s32 @!p2 $0x0  }
0x1d: {  	s5 =	simm.s32 @p1 $0x1;
	p0 =	seq.s32 s7, s2  }
0x1e: {  	s7 =	smul.u32 @!p0 $0xF7A, s2;
	p2 =	seq.s32 @!p0 s5, $0x0  }
0x1f: {  	s9 =	smul.u32 $0xF7A, s1;
	s8 =	simm.s32 @!p0 $0x1BF5;
	p2 =	por !p2, p0  }
0x20: {  	[sflag:s8] =	ssyncset.s32 @!p0 $0xFFFFF086;
	s6 =	sadd.s32 @!p0 s3, s7;
	s7 =	simm.s32 @!p0 $0x108  }
0x21: {  	s3 =	sadd.s32 s3, s9;
	s6 =	sadd.s32 @!p0 $0x88, s6;
	s7 =	simm.s32 @p2 $0x1082  }
0x22: {  	[simem:s7], [sflag:s8] =	dma.local @!p0 [hbm:s6], $0xF7A  }
0x23: {  	s9 =	sor.u32 $0xD0000000, s2;
	s6 =	simm.s32 $0x108;
	_ =	swait.ge @!p0 [sflag:s8], $0x0  }
0x24: {  	s3 =	sadd.s32 $0x88, s3;
	s6 =	simm.s32 @!p1 $0x1082;
	[sflag:s4] =	ssyncset.s32 $0xFFFFF086  }
0x25: {  	[simem:s6], [sflag:s4] =	dma.local [hbm:s3], $0xF7A  }
0x26: {  	[smem:$0x3F9E] =	sst s1;
	(tag) =	ssettag s2;
	_ =	strace s9  }
0x27: {  	s1 =	sld [smem:$0x3FAE]  }
0x28: {  	s2 =	sld [smem:$0x3FAF]  }
0x29: {  	s4 =	sld [smem:$0x3FB1]  }
0x2a: {  	p0 =	seq.s32 s5, $0x0;
	s5 =	sld [smem:$0x3FB2]  }
0x2b: {  	s6 =	sld [smem:$0x3FB3]  }
0x2c: {  	s7 =	sld [smem:$0x3FB4]  }
0x2d: {  	s3 =	simm.s32 $0x108;
	s8 =	sld [smem:$0x3FB5]  }
0x2e: {  	s3 =	simm.s32 @!p0 $0x1082;
	s9 =	sld [smem:$0x3FB6]  }
0x2f: {  	lr =	sadd.s32 s0, s3;
	s0 =	sld [smem:$0x3FAD]  }
0x30: {  	s3 =	sld [smem:$0x3FB0]  }
0x31: {  	[smem:$0x3FB9] =	sst s10  }
0x32: {  	s10 =	sld [smem:$0x3FB7];
	_ =	sdelay $0x3  }
0x33: {  	p0 =	seq.s32 s10, $0x1;
	s10 =	sld [smem:$0x3FB9];
	_ =	sdelay $0x3  }
0x34: {  	[smem:$0x3FB9] =	sst s10  }
0x35: {  	s10 =	sld [smem:$0x3FB8];
	_ =	sdelay $0x3  }
0x36: {  	p1 =	seq.s32 s10, $0x1;
	s10 =	sld [smem:$0x3FB9];
	_ =	sdelay $0x3  }
0x37: {  	[smem:$0x3FB9] =	sst s10  }
0x38: {  	s10 =	sld [smem:$0x3FBA]  }
0x39: {  	_ = 	snop;
	(pc) =	sbr.ind lr, $3  }
0x3a: {  	_ = 	snop  }
0x3b: {  	_ = 	snop  }
0x3c: {  	p2 =	seq.s32 s10, $0x1;
	s10 =	sld [smem:$0x3FB9]  }
0x3d: {  	_ =	shalt  }
0x3e: {  	_ =	shalt  }
0x3f: {  	_ =	shalt  }
0x40: {  	_ =	shalt  }
0x41: {  	_ =	shalt  }
0x42: {  	_ =	shalt  }
0x43: {  	_ =	shalt  }
0x44: {  	_ =	shalt  }
0x45: {  	_ =	shalt  }
0x46: {  	_ =	shalt  }
0x47: {  	_ =	shalt  }
0x48: {  	_ =	shalt  }
0x49: {  	_ =	shalt  }
0x4a: {  	_ =	shalt  }
0x4b: {  	_ =	shalt  }
0x4c: {  	_ =	shalt  }
0x4d: {  	_ =	shalt  }
0x4e: {  	_ =	shalt  }
0x4f: {  	_ =	shalt  }
0x50: {  	_ =	shalt  }
0x51: {  	_ =	shalt  }
0x52: {  	_ =	shalt  }
0x53: {  	_ =	shalt  }
0x54: {  	_ =	shalt  }
0x55: {  	_ =	shalt  }
0x56: {  	_ =	shalt  }
0x57: {  	_ =	shalt  }
0x58: {  	_ =	shalt  }
0x59: {  	_ =	shalt  }
0x5a: {  	_ =	shalt  }
0x5b: {  	_ =	shalt  }
0x5c: {  	_ =	shalt  }
0x5d: {  	_ =	shalt  }
0x5e: {  	_ =	shalt  }
0x5f: {  	_ =	shalt  }
0x60: {  	_ =	shalt  }
0x61: {  	_ =	shalt  }
0x62: {  	_ =	shalt  }
0x63: {  	_ =	shalt  }
0x64: {  	_ =	shalt  }
0x65: {  	_ =	shalt  }
0x66: {  	_ =	shalt  }
0x67: {  	_ =	shalt  }
0x68: {  	_ =	shalt  }
0x69: {  	_ =	shalt  }
0x6a: {  	_ =	shalt  }
0x6b: {  	_ =	shalt  }
0x6c: {  	_ =	shalt  }
0x6d: {  	_ =	shalt  }
0x6e: {  	_ =	shalt  }
0x6f: {  	_ =	shalt  }
0x70: {  	_ =	shalt  }
0x71: {  	_ =	shalt  }
0x72: {  	_ =	shalt  }
0x73: {  	_ =	shalt  }
0x74: {  	_ =	shalt  }
0x75: {  	_ =	shalt  }
0x76: {  	_ =	shalt  }
0x77: {  	_ =	shalt  }
0x78: {  	_ =	shalt  }
0x79: {  	_ =	shalt  }
0x7a: {  	_ =	shalt  }
0x7b: {  	_ =	shalt  }
0x7c: {  	_ =	shalt  }
0x7d: {  	_ =	shalt  }
0x7e: {  	_ =	shalt  }
0x7f: {  	_ =	shalt  }
0x80: {  	_ =	shalt  }
0x81: {  	_ =	shalt  }
0x82: {  	_ =	shalt  }
0x83: {  	_ =	shalt  }
0x84: {  	_ =	shalt  }
0x85: {  	_ =	shalt  }
0x86: {  	_ =	shalt  }
0x87: {  	_ =	shalt  }
.Lfunc_end0:
.L_simem_size_0:
called_computation_lowered:
.L_overlay_start_0:
0x88: {  	s2 =	sld [smem:$0x3FD9]  }
0x89: {  	s3 =	sld [smem:$0x3FFE];
	_ =	sdelay $0x1  }
0x8a: {  	s1 =	srdreg.scid  }
0x8b: {  	s0 =	sand.u32 $0x1, s1  }
0x8c: {  	s17 =	sshll.u32 s0, $0xA;
	s2 =	sadd.s32 s3, s2  }
0x8d: {  	s2 =	sadd.s32 s2, s17  }
0x8e: {  	[smem:$0x3FC5] =	sst s2  }
0x8f: {  	_ = 	snop  }
0x90: {  	s2 =	sld [smem:$0x3FC9]  }
0x91: {  	s18 =	sld [smem:$0x3FD0];
	(tm) =	ssettm $0x1  }
0x92: {  	s4 =	sld [smem:$0x3FFB];
	_ =	sdelay $0x3  }
0x93: {  	_ =	strace s4  }
0x94: {  	s4 =	sld [smem:$0x3FFC];
	_ =	sdelay $0x3  }
0x95: {  	_ =	strace s4  }
0x96: {  	s4 =	sld [smem:$0x3FFD];
	_ =	sdelay $0x3  }
0x97: {  	_ =	strace s4  }
0x98: {  	_ =	strace $0x8FFFFFFF  }
0x99: {  	s19 =	sld [smem:$0x3FDB];
	_ =	sdelay $0x1  }
0x9a: {  	s5 =	simm.s32 $_scs_section_size  }
0x9b: {  	s6 =	simm.s32 $_size__tile_overlayer_lowered;
	s7 =	simm.s32 $_tile_overlayer_lowered  }
0x9c: {  	s22 =	simm.s32 $0x1BFF;
	s21 =	sshll.u32 s7, $0x1;
	s4 =	sadd.s32 s5, s19  }
0x9d: {  	s8 =	simm.s32 $0x0;
	s20 =	sshll.u32 s6, $0x1;
	s6 =	sadd.s32 s21, s4  }
0x9e: {  	[timem:s8], [sflag:s22] =	dma.local [hbm:s6], s20  }
0x9f: {  	_ =	swait.ge [sflag:s22], s20  }
0xa0: {  	s5 =	ssub.s32 $0x0, s20;
	[sflag:s22] =	ssyncset.done $0x0  }
0xa1: {  	[sflag:s22] =	ssyncadd.s32 s5;
	_ =	sdelay $0x1  }
0xa2: {  	s23 =	simm.s32 $0x1B8B  }
0xa3: {  	_ =	swait.ge [sflag:s23], $0x1  }
0xa4: {  	[sflag:s23] =	ssyncset.done $0x0  }
0xa5: {  	s25 =	simm.s32 $0x1B8E;
	s24 =	sld [smem:$0x3FFE];
	[sflag:s23] =	ssyncadd.s32 $0xFFFFFFFF  }
0xa6: {  	s26 =	simm.s32 $execute0_lowered;
	[smem:$0x3FD2] =	sst s25  }
0xa7: {  	s6 =	sshll.u32 s26, $0x1;
	_ =	strace $0x80000046;
	[dreg:$0x1] =	wrdreg $0xFFFFFFFF  }
0xa8: {  	s28 =	simm.s32 $_size_execute0_lowered;
	s4 =	sadd.s32 s4, s6;
	[dreg:$0x0] =	wrdreg $0x0  }
0xa9: {  	s6 =	sshll.u32 s28, $0x1;
	[dreg:$0x2] =	wrdreg s4  }
0xaa: {  	[dreg:$0x3] =	wrdreg s6  }
0xab: {  	[dreg:$0x4] =	wrdreg $0xC0  }
0xac: {  	_ =	task [dreg:s8], $0x5FFFF  }
0xad: {  	[dreg:$0x1] =	wrdreg $0xFFFFFFFF  }
0xae: {  	[dreg:$0x0] =	wrdreg $0x60  }
0xaf: {  	[dreg:$0x2] =	wrdreg s2  }
0xb0: {  	[dreg:$0x3] =	wrdreg s24  }
0xb1: {  	[dreg:$0x4] =	wrdreg s18  }
0xb2: {  	[dreg:$0x5] =	wrdreg $0x9  }
0xb3: {  	_ =	task.clear_ibuf [dreg:s8], $0x6FFFF;
	_ =	strace $0x90000046  }
0xb4: {  	s29 =	simm.s32 $0x9;
	_ =	strace $0x80000048  }
0xb5: {  	_ =	swait.ge [sflag:s29], $0x1  }
0xb6: {  	[sflag:s29] =	ssyncadd.s32 $0xFFFFFFFF  }
0xb7: {  	_ =	strace $0x90000048  }
0xb8: {  	_ =	sfence  }
0xb9: {  	s30 =	sld [smem:$0x0];
	_ =	sdelay $0x2  }
0xba: {  	s31 =	sshll.u32 s1, $0xD;
	s1 =	sshrl.u32 s1, $0x2  }
0xbb: {  	s3 =	sand.u32 $0x4000, s31;
	s1 =	sadd.s32 s1, s30  }
0xbc: {  	s0 =	sor.u32 s3, s0;
	s1 =	sshll.u32 s1, $0x11  }
0xbd: {  	s0 =	sor.u32 s1, s0  }
0xbe: {  	s0 =	sadd.s32 $0x8F2B, s0  }
0xbf: {  	[sflag:s0] =	ssyncadd.remote.s32 $0x1  }
0xc0: {  	_ =	sfence.sel $0xFFFF  }
0xc1: {  	[dreg:$0x0] =	wrdreg $0xFFFFFFFF;
	(pc) =	sbr.abs _section_cstart, $3  }
0xc2: {  	[dreg:$0x1] =	wrdreg $0xFFFFFFFF  }
0xc3: {  	_ =	task.clear_ibuf [dreg:s8], $0x2FFFF;
	_ =	strace $0x9FFFFFFF  }
0xc4: {  	(tm) =	ssettm $0x7FFFFFFF  }
0xc5: {  	_ =	shalt  }
tec
execute0_lowered:
.L_overlay_start_1:
0x0: {  	(tag) =	ssettag $0x1  }
0x1: {  	s1 =	rddreg [dreg:$0x0]  }
0x2: {  	s2 =	rddreg [dreg:$0x1];
	s3 =	srdreg.scid  }
0x3: {  	s0 =	stileid.u32;
	s4 =	rddreg [dreg:$0x2]  }
0x4: {  	s10 =	simm.s32 $0xF;
	s11 =	simm.s32 $0x800;
	s12 =	simm.s32 $0x4800  }
0x5: {  	s13 =	simm.s32 $0x8800;
	s14 =	simm.s32 $0xC800;
	s15 =	simm.s32 $0x10800  }
0x6: {  	s16 =	simm.s32 $0x1;
	s17 =	simm.s32 $0x14800;
	s28 =	simm.s32 $0xB  }
0x7: {  	s29 =	simm.s32 $0x7;
	s30 =	simm.s32 $0xC;
	s31 =	simm.s32 $0xD  }
0x8: {  	s5 =	sand.u32 $0x1, s3;
	s18 =	sshll.u32 s0, $0x1;
	s3 =	simm.s32 $0x0  }
0x9: {  	s6 =	sor.u32 s5, s18;
	[smem:$0x7FF] =	sst s3;
	s24 =	ssub.s32 $0x2, s5  }
0xa: {  	s18 =	simm.s32 $0x2;
	s7 =	sshll.u32 s6, $0x8;
	s8 =	smul.u32 $0x2C000, s6  }
0xb: {  	s6 =	smul.u32 $0x5800, s6;
	_ =	strace $0x80000047;
	s5 =	sshrl.u32 s24, $0x1  }
0xc: {  	s2 =	sadd.s32 s7, s2;
	s9 =	ssub.s32 s24, s5;
	s24 =	simm.s32 $0x5  }
0xd: {  	s2 =	sadd.s32 $0x400, s2;
	s19 =	sshrl.u32 s8, $0x3;
	s20 =	sadd.s32 s4, s6  }
0xe: {  	s9 =	smax.u32 s9, $0x1;
	[dreg:$0x4] =	wrdreg s2;
	s8 =	sadd.s32 s4, s19  }
0xf: {  	[dreg:$0x5] =	wrdreg s20;
	s19 =	simm.s32 $0x18800;
	s20 =	simm.s32 $0x3  }
0x10: {  	s2 =	simm.s32 $0xE;
	s21 =	sadd.s32 $0x800, s8;
	s22 =	sadd.s32 $0x1000, s8  }
0x11: {  	s23 =	sadd.s32 $0x1800, s8;
	s25 =	sadd.s32 $0x2000, s8;
	[dreg:$0x6] =	wrdreg s21  }
0x12: {  	s26 =	sadd.s32 $0x2800, s8;
	s4 =	sadd.s32 $0x3000, s8;
	[dreg:$0x7] =	wrdreg s22  }
0x13: {  	s5 =	sadd.s32 $0x3800, s8;
	s6 =	sadd.s32 $0x4000, s8;
	[dreg:$0x8] =	wrdreg s23  }
0x14: {  	s7 =	sadd.s32 $0x4800, s8;
	s8 =	sadd.s32 $0x5000, s8;
	[dreg:$0x9] =	wrdreg s25  }
0x15: {  	[dreg:$0xa] =	wrdreg s26;
	s21 =	simm.s32 $0x8;
	s22 =	simm.s32 $0x4  }
0x16: {  	vm0 =	vmmov $0xff;
	v0 =	vlaneseq.u32;
	s23 =	simm.s32 $0x9;
	s25 =	simm.s32 $0xA;
	s26 =	simm.s32 $0x6  }
.LBB2_1:
0x17: {  	s0 =	rddreg [dreg:$0x4]  }
0x18: {  	[tilespmem:s3], [sflag:$0xF] =	stream.linear.gather [hbm4b:s0+s3], $0x580, $0x38;
	[tilespmem:$0x1C800] =	vst v63  }
0x19: {  	_ =	swait.ge [sflag:s10], $0x580  }
0x1a: {  	[sflag:s10] =	ssyncset.done $0x0  }
0x1b: {  	[sflag:s10] =	ssyncadd.s32 $0xFFFFFA80  }
0x1c: {  	v1 =	vld.msk [tilespmem:$0x0], $0xff;
	_ =	sdelay $0x4  }
0x1d: {  	v1 =	vshll.u32 v1, $0xB  }
0x1e: {  	v1 =	vperm.xlane v1, v0;
	_ =	sdelay $0x5  }
0x1f: {  	[tilespmem:s11], [sflag:$0x1] =	stream.indirect_vreg.gather [hbm4b:s1+s3], $0x800, v1, vm0, $0x38;
	[tilespmem:$0x1C800] =	vst v63  }
0x20: {  	v1 =	vld.msk [tilespmem:$0x80], $0xff;
	_ =	sdelay $0x4  }
0x21: {  	v1 =	vshll.u32 v1, $0xB  }
0x22: {  	v1 =	vperm.xlane v1, v0;
	_ =	sdelay $0x5  }
0x23: {  	[tilespmem:s12], [sflag:$0x2] =	stream.indirect_vreg.gather [hbm4b:s1+s3], $0x800, v1, vm0, $0x38;
	[tilespmem:$0x1C800] =	vst v63  }
0x24: {  	v1 =	vld.msk [tilespmem:$0x100], $0xff;
	_ =	sdelay $0x4  }
0x25: {  	v1 =	vshll.u32 v1, $0xB  }
0x26: {  	v1 =	vperm.xlane v1, v0;
	_ =	sdelay $0x5  }
0x27: {  	[tilespmem:s13], [sflag:$0x3] =	stream.indirect_vreg.gather [hbm4b:s1+s3], $0x800, v1, vm0, $0x38;
	[tilespmem:$0x1C800] =	vst v63  }
0x28: {  	v1 =	vld.msk [tilespmem:$0x180], $0xff;
	_ =	sdelay $0x4  }
0x29: {  	v1 =	vshll.u32 v1, $0xB  }
0x2a: {  	v1 =	vperm.xlane v1, v0;
	_ =	sdelay $0x5  }
0x2b: {  	[tilespmem:s14], [sflag:$0x4] =	stream.indirect_vreg.gather [hbm4b:s1+s3], $0x800, v1, vm0, $0x38;
	[tilespmem:$0x1C800] =	vst v63  }
0x2c: {  	v1 =	vld.msk [tilespmem:$0x200], $0xff;
	_ =	sdelay $0x4  }
0x2d: {  	v1 =	vshll.u32 v1, $0xB  }
0x2e: {  	v1 =	vperm.xlane v1, v0;
	_ =	sdelay $0x5  }
0x2f: {  	[tilespmem:s15], [sflag:$0x5] =	stream.indirect_vreg.gather [hbm4b:s1+s3], $0x800, v1, vm0, $0x38;
	[tilespmem:$0x1C800] =	vst v63  }
0x30: {  	_ =	swait.ge [sflag:s16], $0x4000  }
0x31: {  	[sflag:s16] =	ssyncset.done $0x0  }
0x32: {  	s0 =	rddreg [dreg:$0x5];
	[sflag:s16] =	ssyncadd.s32 $0xFFFFC000  }
0x33: {  	[hbm4b:s0+s3] =	stream.linear.scatter [tilespmem:s11], [sflag:$0x8], $0x4000, $0x38;
	[tilespmem:$0x1C800] =	vst v63  }
0x34: {  	v1 =	vld.msk [tilespmem:$0x280], $0xff;
	_ =	sdelay $0x4  }
0x35: {  	v1 =	vshll.u32 v1, $0xB  }
0x36: {  	v1 =	vperm.xlane v1, v0;
	_ =	sdelay $0x5  }
0x37: {  	[tilespmem:s17], [sflag:$0x6] =	stream.indirect_vreg.gather [hbm4b:s1+s3], $0x800, v1, vm0, $0x38;
	[tilespmem:$0x1C800] =	vst v63  }
0x38: {  	_ =	swait.ge [sflag:s18], $0x4000  }
0x39: {  	[sflag:s18] =	ssyncset.done $0x0  }
0x3a: {  	s0 =	rddreg [dreg:$0x6];
	[sflag:s18] =	ssyncadd.s32 $0xFFFFC000  }
0x3b: {  	[hbm4b:s0+s3] =	stream.linear.scatter [tilespmem:s12], [sflag:$0x9], $0x4000, $0x38;
	[tilespmem:$0x1C800] =	vst v63  }
0x3c: {  	v1 =	vld.msk [tilespmem:$0x300], $0xff;
	_ =	sdelay $0x4  }
0x3d: {  	v1 =	vshll.u32 v1, $0xB  }
0x3e: {  	v1 =	vperm.xlane v1, v0;
	_ =	sdelay $0x5  }
0x3f: {  	[tilespmem:s19], [sflag:$0x7] =	stream.indirect_vreg.gather [hbm4b:s1+s3], $0x800, v1, vm0, $0x38;
	[tilespmem:$0x1C800] =	vst v63  }
0x40: {  	_ =	swait.ge [sflag:s20], $0x4000  }
0x41: {  	[sflag:s20] =	ssyncset.done $0x0  }
0x42: {  	s0 =	rddreg [dreg:$0x7];
	[sflag:s20] =	ssyncadd.s32 $0xFFFFC000  }
0x43: {  	[hbm4b:s0+s3] =	stream.linear.scatter [tilespmem:s13], [sflag:$0xA], $0x4000, $0x38;
	[tilespmem:$0x1C800] =	vst v63  }
0x44: {  	_ =	swait.ge [sflag:s21], $0x4000  }
0x45: {  	[sflag:s21] =	ssyncset.done $0x0  }
0x46: {  	[sflag:s21] =	ssyncadd.s32 $0xFFFFC000  }
0x47: {  	v1 =	vld.msk [tilespmem:$0x380], $0xff;
	_ =	sdelay $0x4  }
0x48: {  	v1 =	vshll.u32 v1, $0xB  }
0x49: {  	v1 =	vperm.xlane v1, v0;
	_ =	sdelay $0x5  }
0x4a: {  	[tilespmem:s11], [sflag:$0x1] =	stream.indirect_vreg.gather [hbm4b:s1+s3], $0x800, v1, vm0, $0x38;
	[tilespmem:$0x1C800] =	vst v63  }
0x4b: {  	_ =	swait.ge [sflag:s22], $0x4000  }
0x4c: {  	[sflag:s22] =	ssyncset.done $0x0  }
0x4d: {  	s0 =	rddreg [dreg:$0x8];
	[sflag:s22] =	ssyncadd.s32 $0xFFFFC000  }
0x4e: {  	[hbm4b:s0+s3] =	stream.linear.scatter [tilespmem:s14], [sflag:$0xB], $0x4000, $0x38;
	[tilespmem:$0x1C800] =	vst v63  }
0x4f: {  	_ =	swait.ge [sflag:s23], $0x4000  }
0x50: {  	[sflag:s23] =	ssyncset.done $0x0  }
0x51: {  	[sflag:s23] =	ssyncadd.s32 $0xFFFFC000  }
0x52: {  	v1 =	vld.msk [tilespmem:$0x400], $0xff;
	_ =	sdelay $0x4  }
0x53: {  	v1 =	vshll.u32 v1, $0xB  }
0x54: {  	v1 =	vperm.xlane v1, v0;
	_ =	sdelay $0x5  }
0x55: {  	[tilespmem:s12], [sflag:$0x2] =	stream.indirect_vreg.gather [hbm4b:s1+s3], $0x800, v1, vm0, $0x38;
	[tilespmem:$0x1C800] =	vst v63  }
0x56: {  	_ =	swait.ge [sflag:s24], $0x4000  }
0x57: {  	[sflag:s24] =	ssyncset.done $0x0  }
0x58: {  	s0 =	rddreg [dreg:$0x9];
	[sflag:s24] =	ssyncadd.s32 $0xFFFFC000  }
0x59: {  	[hbm4b:s0+s3] =	stream.linear.scatter [tilespmem:s15], [sflag:$0xC], $0x4000, $0x38;
	[tilespmem:$0x1C800] =	vst v63  }
0x5a: {  	_ =	swait.ge [sflag:s25], $0x4000  }
0x5b: {  	[sflag:s25] =	ssyncset.done $0x0  }
0x5c: {  	[sflag:s25] =	ssyncadd.s32 $0xFFFFC000  }
0x5d: {  	v1 =	vld.msk [tilespmem:$0x480], $0xff;
	_ =	sdelay $0x4  }
0x5e: {  	v1 =	vshll.u32 v1, $0xB  }
0x5f: {  	v1 =	vperm.xlane v1, v0;
	_ =	sdelay $0x5  }
0x60: {  	[tilespmem:s13], [sflag:$0x3] =	stream.indirect_vreg.gather [hbm4b:s1+s3], $0x800, v1, vm0, $0x38;
	[tilespmem:$0x1C800] =	vst v63  }
0x61: {  	_ =	swait.ge [sflag:s26], $0x4000  }
0x62: {  	[sflag:s26] =	ssyncset.done $0x0  }
0x63: {  	s0 =	rddreg [dreg:$0xa];
	[sflag:s26] =	ssyncadd.s32 $0xFFFFC000  }
0x64: {  	[hbm4b:s0+s3] =	stream.linear.scatter [tilespmem:s17], [sflag:$0xD], $0x4000, $0x38;
	[tilespmem:$0x1C800] =	vst v63  }
0x65: {  	_ =	swait.ge [sflag:s28], $0x4000  }
0x66: {  	[sflag:s28] =	ssyncset.done $0x0  }
0x67: {  	[sflag:s28] =	ssyncadd.s32 $0xFFFFC000  }
0x68: {  	v1 =	vld.msk [tilespmem:$0x500], $0xff;
	_ =	sdelay $0x4  }
0x69: {  	v1 =	vshll.u32 v1, $0xB  }
0x6a: {  	v1 =	vperm.xlane v1, v0;
	_ =	sdelay $0x5  }
0x6b: {  	[tilespmem:s14], [sflag:$0x4] =	stream.indirect_vreg.gather [hbm4b:s1+s3], $0x800, v1, vm0, $0x38;
	[tilespmem:$0x1C800] =	vst v63  }
0x6c: {  	_ =	swait.ge [sflag:s29], $0x4000  }
0x6d: {  	[sflag:s29] =	ssyncset.done $0x0  }
0x6e: {  	[sflag:s29] =	ssyncadd.s32 $0xFFFFC000  }
0x6f: {  	[hbm4b:s4+s3] =	stream.linear.scatter [tilespmem:s19], [sflag:$0xE], $0x4000, $0x38;
	[tilespmem:$0x1C800] =	vst v63  }
0x70: {  	_ =	swait.ge [sflag:s16], $0x4000  }
0x71: {  	[sflag:s16] =	ssyncset.done $0x0  }
0x72: {  	[sflag:s16] =	ssyncadd.s32 $0xFFFFC000  }
0x73: {  	[hbm4b:s5+s3] =	stream.linear.scatter [tilespmem:s11], [sflag:$0x8], $0x4000, $0x38;
	[tilespmem:$0x1C800] =	vst v63  }
0x74: {  	_ =	swait.ge [sflag:s18], $0x4000  }
0x75: {  	[sflag:s18] =	ssyncset.done $0x0  }
0x76: {  	[sflag:s18] =	ssyncadd.s32 $0xFFFFC000  }
0x77: {  	[hbm4b:s6+s3] =	stream.linear.scatter [tilespmem:s12], [sflag:$0x9], $0x4000, $0x38;
	[tilespmem:$0x1C800] =	vst v63  }
0x78: {  	_ =	swait.ge [sflag:s20], $0x4000  }
0x79: {  	[sflag:s20] =	ssyncset.done $0x0  }
0x7a: {  	[sflag:s20] =	ssyncadd.s32 $0xFFFFC000  }
0x7b: {  	[hbm4b:s7+s3] =	stream.linear.scatter [tilespmem:s13], [sflag:$0xA], $0x4000, $0x38;
	[tilespmem:$0x1C800] =	vst v63  }
0x7c: {  	_ =	swait.ge [sflag:s22], $0x4000  }
0x7d: {  	[sflag:s22] =	ssyncset.done $0x0  }
0x7e: {  	[sflag:s22] =	ssyncadd.s32 $0xFFFFC000  }
0x7f: {  	[hbm4b:s8+s3] =	stream.linear.scatter [tilespmem:s14], [sflag:$0xB], $0x4000, $0x38;
	[tilespmem:$0x1C800] =	vst v63  }
0x80: {  	_ =	swait.ge [sflag:s21], $0x4000  }
0x81: {  	[sflag:s21] =	ssyncset.done $0x0  }
0x82: {  	[sflag:s21] =	ssyncadd.s32 $0xFFFFC000  }
0x83: {  	_ =	swait.ge [sflag:s23], $0x4000  }
0x84: {  	[sflag:s23] =	ssyncset.done $0x0  }
0x85: {  	[sflag:s23] =	ssyncadd.s32 $0xFFFFC000  }
0x86: {  	_ =	swait.ge [sflag:s25], $0x4000  }
0x87: {  	[sflag:s25] =	ssyncset.done $0x0  }
0x88: {  	[sflag:s25] =	ssyncadd.s32 $0xFFFFC000  }
0x89: {  	_ =	swait.ge [sflag:s28], $0x4000  }
0x8a: {  	[sflag:s28] =	ssyncset.done $0x0  }
0x8b: {  	[sflag:s28] =	ssyncadd.s32 $0xFFFFC000  }
0x8c: {  	_ =	swait.ge [sflag:s30], $0x4000  }
0x8d: {  	[sflag:s30] =	ssyncset.done $0x0  }
0x8e: {  	[sflag:s30] =	ssyncadd.s32 $0xFFFFC000  }
0x8f: {  	p0 =	sne.s32 s9, $0x1;
	_ =	swait.ge [sflag:s31], $0x4000  }
.Ltmp0:
0x90: {  	[sflag:s31] =	ssyncset.done $0x0;
	(pc) =	sbr.rel @p0 .LBB2_1-.Ltmp0, $4  }
0x91: {  	[sflag:s31] =	ssyncadd.s32 $0xFFFFC000  }
0x92: {  	_ =	swait.ge [sflag:s2], $0x4000  }
0x93: {  	[sflag:s2] =	ssyncset.done $0x0  }
0x94: {  	s9 =	sadd.s32 $0xFFFFFFFF, s9;
	[sflag:s2] =	ssyncadd.s32 $0xFFFFC000  }
0x95: {  	_ =	sfence.sel $0x180000  }
0x96: {  	[bflag:$0x0] =	sbarrier.arrive $0xFFFF  }
0x97: {  	_ =	strace $0x90000047  }
0x98: {  	s0 =	stileid.u32;
	[bflag:$0x2] =	sbarrier.arrive $0xFFFF  }
0x99: {  	p0 =	sne.s32 s0, $0x0;
	s0 =	rddreg [dreg:$0x3]  }
0x9a: {  	s0 =	sadd.s32 @!p0 $0x100000, s0  }
0x9b: {  	[sflag:s0] =	ssyncadd.tile.s32 @!p0 $0x1;
	_ =	shalt  }
.Lfunc_end2:
_tile_overlayer_lowered:
.L_overlay_start_2:
0x9c: {  	(tag) =	ssettag $0x2  }
0x9d: {  	s0 =	rddreg [dreg:$0x0];
	s2 =	stileid.u32  }
0x9e: {  	s1 =	rddreg [dreg:$0x1];
	p0 =	sne.s32 s2, $0x0  }
0x9f: {  	s3 =	rddreg [dreg:$0x2];
	[bflag:$0x3] =	sbarrier.arrive $0xFFFF;
	s2 =	simm.s32 @!p0 $0x1C0F  }
0xa0: {  	[timem:s3], [sflag:s2] =	dma.local @!p0 [hbm:s0], s1  }
0xa1: {  	s0 =	simm.s32 @!p0 $0xF  }
0xa2: {  	_ =	swait.ge @!p0 [sflag:s0], s1  }
0xa3: {  	s1 =	ssub.s32 @!p0 $0x0, s1;
	[sflag:s0] =	ssyncset.done @!p0 $0x0  }
0xa4: {  	[sflag:s0] =	ssyncadd.s32 @!p0 s1  }
0xa5: {  	[bflag:$0x3] =	sbarrier.arrive $0xFFFF  }
0xa6: {  	_ =	shalt  }

</sc_bundles>
